<compile_context>
chip_gen: v7x
topology: tpu7x:2x2x1
jax: 0.10.2.dev20260603
libtpu: 0.0.44.dev20260713+nightly
codegen_flags: <defaults>
</compile_context>

<pallas_src>
import functools

import jax
import jax.numpy as jnp
from jax import lax
from jax.experimental import pallas as pl
from jax.experimental.pallas import tpu as pltpu
from jax.experimental.pallas import tpu_sc as plsc

N = 10000
E = 320000
D = 128
H = 256
O = 1024
NUM_OUT = 18

NSUB = 16
CHUNK = 128
NPC = 160
EPAD = NSUB * CHUNK * NPC

RHALF = 5120
NROWS0 = 5248
ZSTR0 = NROWS0 // NSUB
CSTR0 = RHALF // NSUB


def _sc_seg_sum_l1(table_flat, srcs3d, dstA2d, dstB2d):
    mesh = plsc.VectorSubcoreMesh(core_axis_name="c", subcore_axis_name="s")
    zeros = jnp.zeros((NROWS0, 128), jnp.float32)

    @functools.partial(
        pl.kernel,
        mesh=mesh,
        out_type=jax.ShapeDtypeStruct((2, 2 * RHALF, 128), jnp.float32),
        scratch_types=[
            pltpu.VMEM((NPC, CHUNK), jnp.int32),
            pltpu.VMEM((NPC, CHUNK), jnp.int32),
            pltpu.VMEM((NPC, CHUNK), jnp.int32),
            pltpu.VMEM((CHUNK, 128), jnp.float32),
            pltpu.VMEM_SHARED((NROWS0, 128), jnp.float32),
            pltpu.SemaphoreType.DMA,
        ],
    )
    def k(table_hbm, srcs_hbm, dstA_hbm, dstB_hbm, zero_hbm, out_hbm,
          src_v, dstA_v, dstB_v, rows_v, agg_sh, sem):
        c = lax.axis_index("c")
        s = lax.axis_index("s")
        pltpu.sync_copy(srcs_hbm.at[c, pl.ds(s * NPC, NPC)], src_v)
        pltpu.sync_copy(dstA_hbm.at[pl.ds(s * NPC, NPC)], dstA_v)
        pltpu.sync_copy(dstB_hbm.at[pl.ds(s * NPC, NPC)], dstB_v)

        for dst_v, out_base in ((dstA_v, 0), (dstB_v, RHALF)):
            pltpu.sync_copy(zero_hbm.at[pl.ds(s * ZSTR0, ZSTR0)],
                            agg_sh.at[pl.ds(s * ZSTR0, ZSTR0)])
            plsc.subcore_barrier()

            @pl.loop(0, NPC)
            def _(i):
                pltpu.async_copy(table_hbm.at[src_v.at[i]], rows_v, sem).wait()
                pltpu.sync_copy(rows_v, agg_sh.at[dst_v.at[i]], add=True)

            plsc.subcore_barrier()
            pltpu.sync_copy(
                agg_sh.at[pl.ds(s * CSTR0, CSTR0)],
                out_hbm.at[c, pl.ds(out_base + s * CSTR0, CSTR0)])
            plsc.subcore_barrier()

    return k(table_flat, srcs3d, dstA2d, dstB2d, zeros)


def _sc_seg_sum_l0(table, src2d, dstA2d, dstB2d):
    mesh = plsc.VectorSubcoreMesh(core_axis_name="c", subcore_axis_name="s")
    zeros = jnp.zeros((NROWS0, 128), jnp.float32)
    npc = NPC // 2

    @functools.partial(
        pl.kernel,
        mesh=mesh,
        out_type=jax.ShapeDtypeStruct((2, 2 * RHALF, 128), jnp.float32),
        scratch_types=[
            pltpu.VMEM((npc, CHUNK), jnp.int32),
            pltpu.VMEM((npc, CHUNK), jnp.int32),
            pltpu.VMEM((npc, CHUNK), jnp.int32),
            pltpu.VMEM((CHUNK, 128), jnp.float32),
            pltpu.VMEM_SHARED((NROWS0, 128), jnp.float32),
            pltpu.SemaphoreType.DMA,
        ],
    )
    def k(table_hbm, src_hbm, dstA_hbm, dstB_hbm, zero_hbm, out_hbm,
          src_v, dstA_v, dstB_v, rows_v, agg_sh, sem):
        c = lax.axis_index("c")
        s = lax.axis_index("s")
        base = (c * NSUB + s) * npc
        pltpu.sync_copy(src_hbm.at[pl.ds(base, npc)], src_v)
        pltpu.sync_copy(dstA_hbm.at[pl.ds(base, npc)], dstA_v)
        pltpu.sync_copy(dstB_hbm.at[pl.ds(base, npc)], dstB_v)

        for dst_v, out_base in ((dstA_v, 0), (dstB_v, RHALF)):
            pltpu.sync_copy(zero_hbm.at[pl.ds(s * ZSTR0, ZSTR0)],
                            agg_sh.at[pl.ds(s * ZSTR0, ZSTR0)])
            plsc.subcore_barrier()

            @pl.loop(0, npc)
            def _(i):
                pltpu.async_copy(table_hbm.at[src_v.at[i]], rows_v, sem).wait()
                pltpu.sync_copy(rows_v, agg_sh.at[dst_v.at[i]], add=True)

            plsc.subcore_barrier()
            pltpu.sync_copy(
                agg_sh.at[pl.ds(s * CSTR0, CSTR0)],
                out_hbm.at[c, pl.ds(out_base + s * CSTR0, CSTR0)])
            plsc.subcore_barrier()

    return k(table, src2d, dstA2d, dstB2d, zeros)


BN = 1000


def _tc1_body(x_ref, a_ref, wrel_ref, wroot_ref, b_ref, h_ref):
    agg = a_ref[0] + a_ref[1]
    h = (jnp.dot(agg, wrel_ref[...], preferred_element_type=jnp.float32)
         + jnp.dot(x_ref[...], wroot_ref[...], preferred_element_type=jnp.float32)
         + b_ref[...])
    h = jnp.maximum(h, 0.0)
    h_ref[0] = h[:, 0:128]
    h_ref[1] = h[:, 128:256]


def _tc1(x, agg_partials, W_rel0, W_root0, b_rel0):
    return pl.pallas_call(
        _tc1_body,
        grid=(N // BN,),
        in_specs=[
            pl.BlockSpec((BN, D), lambda i: (i, 0)),
            pl.BlockSpec((2, BN, 128), lambda i: (0, i, 0)),
            pl.BlockSpec((D, H), lambda i: (0, 0)),
            pl.BlockSpec((D, H), lambda i: (0, 0)),
            pl.BlockSpec((1, H), lambda i: (0, 0)),
        ],
        out_specs=pl.BlockSpec((2, BN, 128), lambda i: (0, i, 0)),
        out_shape=jax.ShapeDtypeStruct((2, N, 128), jnp.float32),
    )(x, agg_partials, W_rel0, W_root0, b_rel0.reshape(1, H))


def _tc2_body(a_ref, h_ref, wrel_ref, wroot_ref, b_ref, wlv_ref, blv_ref, lv_ref):
    o = (jnp.dot(a_ref[0], wrel_ref[0:128, :], preferred_element_type=jnp.float32)
         + jnp.dot(a_ref[1], wrel_ref[128:256, :], preferred_element_type=jnp.float32)
         + jnp.dot(h_ref[0], wroot_ref[0:128, :], preferred_element_type=jnp.float32)
         + jnp.dot(h_ref[1], wroot_ref[128:256, :], preferred_element_type=jnp.float32)
         + b_ref[...])
    o = jnp.maximum(o, 0.0)
    lv_ref[...] = jnp.dot(o, wlv_ref[...], preferred_element_type=jnp.float32) + blv_ref[...]


def _tc2(agg_parts, h_parts, W_rel1, W_root1, b_rel1, Wlv, blv):
    return pl.pallas_call(
        _tc2_body,
        grid=(N // BN,),
        in_specs=[
            pl.BlockSpec((2, BN, 128), lambda i: (0, i, 0)),
            pl.BlockSpec((2, BN, 128), lambda i: (0, i, 0)),
            pl.BlockSpec((H, O), lambda i: (0, 0)),
            pl.BlockSpec((H, O), lambda i: (0, 0)),
            pl.BlockSpec((1, O), lambda i: (0, 0)),
            pl.BlockSpec((O, 128), lambda i: (0, 0)),
            pl.BlockSpec((1, 128), lambda i: (0, 0)),
        ],
        out_specs=pl.BlockSpec((BN, 128), lambda i: (i, 0)),
        out_shape=jax.ShapeDtypeStruct((N, 128), jnp.float32),
    )(agg_parts, h_parts, W_rel1, W_root1, b_rel1.reshape(1, O), Wlv, blv)


def kernel(x, edge_index, W_rel0, b_rel0, W_root0, W_rel1, b_rel1, W_root1,
           W_logit, b_logit, W_val, b_val):
    src = edge_index[0].astype(jnp.int32)
    dst = edge_index[1].astype(jnp.int32)
    pad = EPAD - E
    ar = jnp.arange(pad, dtype=jnp.int32)
    src_p = jnp.concatenate([src, ar % NSUB]).reshape(-1, CHUNK)

    ie = jnp.arange(EPAD, dtype=jnp.int32) % CHUNK
    dst_full = jnp.concatenate([dst, N + (ar % 240)])
    dstA = jnp.where(dst_full < RHALF, dst_full,
                     RHALF + ie).reshape(-1, CHUNK)
    dstB = jnp.where(dst_full >= RHALF, dst_full - RHALF,
                     (RHALF - 240) + ie).reshape(-1, CHUNK)

    agg0 = _sc_seg_sum_l0(x, src_p, dstA, dstB)
    h_parts = _tc1(x, agg0, W_rel0, W_root0, b_rel0)

    srcs2 = jnp.stack([src_p, src_p + N])
    agg1 = _sc_seg_sum_l1(h_parts.reshape(2 * N, 128), srcs2, dstA, dstB)

    Wlv = jnp.concatenate(
        [W_logit, W_val, jnp.zeros((O, 128 - NUM_OUT - 1), jnp.float32)], axis=1)
    blv = jnp.concatenate(
        [b_logit, b_val, jnp.zeros((128 - NUM_OUT - 1,), jnp.float32)]).reshape(1, 128)
    lv = _tc2(agg1, h_parts, W_rel1, W_root1, b_rel1, Wlv, blv)
    logits = lv[:, :NUM_OUT]
    values = lv[:, NUM_OUT:NUM_OUT + 1]
    return logits, values

# --- scband reference (transcript-rebuilt; emitter-appended) ---
"""Pipeline reference for scband-ray-obs-graph-30451318128961 (READ-ONLY COPY).

The authoritative reference and input builder live on the scoring server;
editing this copy changes nothing except your own understanding.
"""

import jax, jax.numpy as jnp
import numpy as np

N = 10000
E = 320000
D = 128
H = 256
O = 1024
NUM_OUT = 18


def setup_inputs(seed: int = 0) -> dict:
    key = jax.random.key(seed)
    ks = jax.random.split(key, 14)
    x = jax.random.normal(ks[0], (N, D), dtype=jnp.float32)
    edge_index = jax.random.randint(ks[1], (2, E), 0, N, dtype=jnp.int32)
    # GraphConv layer 0 params (lin_rel has bias, lin_root bias=False)
    W_rel0 = jax.random.normal(ks[2], (D, H), dtype=jnp.float32) * 0.02
    b_rel0 = jnp.zeros((H,), dtype=jnp.float32)
    W_root0 = jax.random.normal(ks[3], (D, H), dtype=jnp.float32) * 0.02
    # GraphConv layer 1 params
    W_rel1 = jax.random.normal(ks[4], (H, O), dtype=jnp.float32) * 0.02
    b_rel1 = jnp.zeros((O,), dtype=jnp.float32)
    W_root1 = jax.random.normal(ks[5], (H, O), dtype=jnp.float32) * 0.02
    # logit / value branches (SlimFC, no activation)
    W_logit = jax.random.normal(ks[6], (O, NUM_OUT), dtype=jnp.float32) * 0.02
    b_logit = jnp.zeros((NUM_OUT,), dtype=jnp.float32)
    W_val = jax.random.normal(ks[7], (O, 1), dtype=jnp.float32) * 0.02
    b_val = jnp.zeros((1,), dtype=jnp.float32)
    return {
        "x": x, "edge_index": edge_index,
        "W_rel0": W_rel0, "b_rel0": b_rel0, "W_root0": W_root0,
        "W_rel1": W_rel1, "b_rel1": b_rel1, "W_root1": W_root1,
        "W_logit": W_logit, "b_logit": b_logit,
        "W_val": W_val, "b_val": b_val,
    }


def _graph_conv(x, src, dst, W_rel, b_rel, W_root, num_nodes):
    # torch_geometric GraphConv (aggr='add'):
    # out = lin_rel(sum_{j in N(i)} x_j) + lin_root(x_i)
    agg = jax.ops.segment_sum(x[src], dst, num_segments=num_nodes)
    return agg @ W_rel + b_rel + x @ W_root


def reference(x, edge_index, W_rel0, b_rel0, W_root0, W_rel1, b_rel1, W_root1, W_logit, b_logit, W_val, b_val):
    num_nodes = x.shape[0]
    src = edge_index[0]
    dst = edge_index[1]
    h = _graph_conv(x, src, dst, W_rel0, b_rel0, W_root0, num_nodes)
    h = jax.nn.relu(h)
    out = _graph_conv(h, src, dst, W_rel1, b_rel1, W_root1, num_nodes)
    out = jax.nn.relu(out)
    logits = out @ W_logit + b_logit
    values = out @ W_val + b_val
    return logits, values

if __name__ == "__main__":
    import jax
    _d = setup_inputs()
    print(jax.jit(kernel)(*tuple(_d.values())))

</pallas_src>

<mosaic_0001>
#map = affine_map<(d0, d1) -> (0, 0)>
#map1 = affine_map<(d0, d1) -> (0, 0, 0)>
module attributes {stable_mosaic.version = 14 : i64} {
  func.func @k(%arg0: i32, %arg1: i32, %arg2: memref<10000x128xf32, #tpu.memory_space<hbm>>, %arg3: memref<2560x128xi32, #tpu.memory_space<hbm>>, %arg4: memref<2560x128xi32, #tpu.memory_space<hbm>>, %arg5: memref<2560x128xi32, #tpu.memory_space<hbm>>, %arg6: memref<5248x128xf32, #tpu.memory_space<hbm>>, %arg7: memref<2x10240x128xf32, #tpu.memory_space<hbm>>, %arg8: memref<80x128xi32, #tpu.memory_space<vmem>>, %arg9: memref<80x128xi32, #tpu.memory_space<vmem>>, %arg10: memref<80x128xi32, #tpu.memory_space<vmem>>, %arg11: memref<128x128xf32, #tpu.memory_space<vmem>>, %arg12: memref<5248x128xf32, #tpu.memory_space<vmem_shared>>, %arg13: memref<!tpu.dma_semaphore, #tpu.memory_space<semaphore_mem>>) attributes {dimension_semantics = [#tpu.dimension_semantics<core_parallel>, #tpu.dimension_semantics<subcore_parallel>], iteration_bounds = array<i64: 2, 16>, scalar_prefetch = 0 : i64, scratch_operands = 6 : i64, tpu.core_type = #tpu.core_type<sc_vector_subcore>, window_params = [{transform_indices = #map}, {transform_indices = #map}, {transform_indices = #map}, {transform_indices = #map}, {transform_indices = #map}, {transform_indices = #map1}]} {
    %mul3A = arith.constant 16 : i32
    %mul3A_0 = arith.muli %arg0, %mul3A : i32
    %add3A = arith.addi %mul3A_0, %arg1 : i32
    %mul3A_1 = arith.constant 80 : i32
    %mul3A_2 = arith.muli %add3A, %mul3A_1 : i32
    "tpu.region"() ({
      %run_scoped3A = tpu.sem_alloc : memref<!tpu.dma_semaphore, #tpu.memory_space<semaphore_mem>>
      %dma_start3A = arith.constant 0 : i32
      %dma_start3A_37 = tpu.memref_slice %arg3[%mul3A_2, %dma_start3A] : memref<2560x128xi32, #tpu.memory_space<hbm>> -> memref<80x128xi32, #tpu.memory_space<hbm>>
      %dma_start3A_38 = arith.constant 0 : i32
      %dma_start3A_39 = tpu.memref_slice %arg3[%mul3A_2, %dma_start3A_38] : memref<2560x128xi32, #tpu.memory_space<hbm>> -> memref<80x128xi32, #tpu.memory_space<hbm>>
      tpu.enqueue_dma source(%dma_start3A_39 : memref<80x128xi32, #tpu.memory_space<hbm>>) target(%arg8 : memref<80x128xi32, #tpu.memory_space<vmem>>) target_semaphore(%run_scoped3A : memref<!tpu.dma_semaphore, #tpu.memory_space<semaphore_mem>>)
      %dma_wait3A = arith.constant 0 : i32
      %dma_wait3A_40 = tpu.memref_slice %arg3[%mul3A_2, %dma_wait3A] : memref<2560x128xi32, #tpu.memory_space<hbm>> -> memref<80x128xi32, #tpu.memory_space<hbm>>
      %dma_wait3A_41 = arith.constant 0 : i32
      %dma_wait3A_42 = tpu.memref_slice %arg3[%mul3A_2, %dma_wait3A_41] : memref<2560x128xi32, #tpu.memory_space<hbm>> -> memref<80x128xi32, #tpu.memory_space<hbm>>
      tpu.wait_dma2 semaphore(%run_scoped3A : memref<!tpu.dma_semaphore, #tpu.memory_space<semaphore_mem>>) src(%dma_wait3A_42 : memref<80x128xi32, #tpu.memory_space<hbm>>) dst(%arg8 : memref<80x128xi32, #tpu.memory_space<vmem>>)
      tpu.yield
    }) : () -> ()
    "tpu.region"() ({
      %run_scoped3A = tpu.sem_alloc : memref<!tpu.dma_semaphore, #tpu.memory_space<semaphore_mem>>
      %dma_start3A = arith.constant 0 : i32
      %dma_start3A_37 = tpu.memref_slice %arg4[%mul3A_2, %dma_start3A] : memref<2560x128xi32, #tpu.memory_space<hbm>> -> memref<80x128xi32, #tpu.memory_space<hbm>>
      %dma_start3A_38 = arith.constant 0 : i32
      %dma_start3A_39 = tpu.memref_slice %arg4[%mul3A_2, %dma_start3A_38] : memref<2560x128xi32, #tpu.memory_space<hbm>> -> memref<80x128xi32, #tpu.memory_space<hbm>>
      tpu.enqueue_dma source(%dma_start3A_39 : memref<80x128xi32, #tpu.memory_space<hbm>>) target(%arg9 : memref<80x128xi32, #tpu.memory_space<vmem>>) target_semaphore(%run_scoped3A : memref<!tpu.dma_semaphore, #tpu.memory_space<semaphore_mem>>)
      %dma_wait3A = arith.constant 0 : i32
      %dma_wait3A_40 = tpu.memref_slice %arg4[%mul3A_2, %dma_wait3A] : memref<2560x128xi32, #tpu.memory_space<hbm>> -> memref<80x128xi32, #tpu.memory_space<hbm>>
      %dma_wait3A_41 = arith.constant 0 : i32
      %dma_wait3A_42 = tpu.memref_slice %arg4[%mul3A_2, %dma_wait3A_41] : memref<2560x128xi32, #tpu.memory_space<hbm>> -> memref<80x128xi32, #tpu.memory_space<hbm>>
      tpu.wait_dma2 semaphore(%run_scoped3A : memref<!tpu.dma_semaphore, #tpu.memory_space<semaphore_mem>>) src(%dma_wait3A_42 : memref<80x128xi32, #tpu.memory_space<hbm>>) dst(%arg9 : memref<80x128xi32, #tpu.memory_space<vmem>>)
      tpu.yield
    }) : () -> ()
    "tpu.region"() ({
      %run_scoped3A = tpu.sem_alloc : memref<!tpu.dma_semaphore, #tpu.memory_space<semaphore_mem>>
      %dma_start3A = arith.constant 0 : i32
      %dma_start3A_37 = tpu.memref_slice %arg5[%mul3A_2, %dma_start3A] : memref<2560x128xi32, #tpu.memory_space<hbm>> -> memref<80x128xi32, #tpu.memory_space<hbm>>
      %dma_start3A_38 = arith.constant 0 : i32
      %dma_start3A_39 = tpu.memref_slice %arg5[%mul3A_2, %dma_start3A_38] : memref<2560x128xi32, #tpu.memory_space<hbm>> -> memref<80x128xi32, #tpu.memory_space<hbm>>
      tpu.enqueue_dma source(%dma_start3A_39 : memref<80x128xi32, #tpu.memory_space<hbm>>) target(%arg10 : memref<80x128xi32, #tpu.memory_space<vmem>>) target_semaphore(%run_scoped3A : memref<!tpu.dma_semaphore, #tpu.memory_space<semaphore_mem>>)
      %dma_wait3A = arith.constant 0 : i32
      %dma_wait3A_40 = tpu.memref_slice %arg5[%mul3A_2, %dma_wait3A] : memref<2560x128xi32, #tpu.memory_space<hbm>> -> memref<80x128xi32, #tpu.memory_space<hbm>>
      %dma_wait3A_41 = arith.constant 0 : i32
      %dma_wait3A_42 = tpu.memref_slice %arg5[%mul3A_2, %dma_wait3A_41] : memref<2560x128xi32, #tpu.memory_space<hbm>> -> memref<80x128xi32, #tpu.memory_space<hbm>>
      tpu.wait_dma2 semaphore(%run_scoped3A : memref<!tpu.dma_semaphore, #tpu.memory_space<semaphore_mem>>) src(%dma_wait3A_42 : memref<80x128xi32, #tpu.memory_space<hbm>>) dst(%arg10 : memref<80x128xi32, #tpu.memory_space<vmem>>)
      tpu.yield
    }) : () -> ()
    %mul3A_3 = arith.constant 328 : i32
    %mul3A_4 = arith.muli %arg1, %mul3A_3 : i32
    %mul3A_5 = arith.constant 328 : i32
    %mul3A_6 = arith.muli %arg1, %mul3A_5 : i32
    "tpu.region"() ({
      %run_scoped3A = tpu.sem_alloc : memref<!tpu.dma_semaphore, #tpu.memory_space<semaphore_mem>>
      %dma_start3A = arith.constant 0 : i32
      %dma_start3A_37 = tpu.memref_slice %arg12[%mul3A_6, %dma_start3A] : memref<5248x128xf32, #tpu.memory_space<vmem_shared>> -> memref<328x128xf32, #tpu.memory_space<vmem_shared>>
      %dma_start3A_38 = arith.constant 0 : i32
      %dma_start3A_39 = tpu.memref_slice %arg6[%mul3A_4, %dma_start3A_38] : memref<5248x128xf32, #tpu.memory_space<hbm>> -> memref<328x128xf32, #tpu.memory_space<hbm>>
      tpu.enqueue_dma source(%dma_start3A_39 : memref<328x128xf32, #tpu.memory_space<hbm>>) target(%dma_start3A_37 : memref<328x128xf32, #tpu.memory_space<vmem_shared>>) target_semaphore(%run_scoped3A : memref<!tpu.dma_semaphore, #tpu.memory_space<semaphore_mem>>)
      %dma_wait3A = arith.constant 0 : i32
      %dma_wait3A_40 = tpu.memref_slice %arg12[%mul3A_6, %dma_wait3A] : memref<5248x128xf32, #tpu.memory_space<vmem_shared>> -> memref<328x128xf32, #tpu.memory_space<vmem_shared>>
      %dma_wait3A_41 = arith.constant 0 : i32
      %dma_wait3A_42 = tpu.memref_slice %arg6[%mul3A_4, %dma_wait3A_41] : memref<5248x128xf32, #tpu.memory_space<hbm>> -> memref<328x128xf32, #tpu.memory_space<hbm>>
      tpu.wait_dma2 semaphore(%run_scoped3A : memref<!tpu.dma_semaphore, #tpu.memory_space<semaphore_mem>>) src(%dma_wait3A_42 : memref<328x128xf32, #tpu.memory_space<hbm>>) dst(%dma_wait3A_40 : memref<328x128xf32, #tpu.memory_space<vmem_shared>>)
      tpu.yield
    }) : () -> ()
    %barrier3A = arith.constant 0 : index
    tpu.barrier barrier_id(%barrier3A)
    %scan3A = arith.constant 0 : i32
    %scan3A_7 = arith.constant 80 : i32
    %scan3A_8 = arith.addi %scan3A, %scan3A_7 : i32
    %scan3A_9 = arith.constant 1 : i32
    scf.for %scan3A_37 = %scan3A to %scan3A_8 step %scan3A_9  : i32 {
      %mul3A_38 = arith.constant 1 : i32
      %mul3A_39 = arith.muli %scan3A_37, %mul3A_38 : i32
      %add3A_40 = arith.constant 0 : i32
      %add3A_41 = arith.addi %add3A_40, %mul3A_39 : i32
      %dma_start3A = arith.constant 0 : i32
      %dma_start3A_42 = tpu.memref_slice %arg8[%add3A_41, %dma_start3A] : memref<80x128xi32, #tpu.memory_space<vmem>> -> memref<1x128xi32, #tpu.memory_space<vmem>>
      %dma_start3A_43 = tpu.memref_squeeze %dma_start3A_42 : memref<1x128xi32, #tpu.memory_space<vmem>> -> memref<128xi32, #tpu.memory_space<vmem>>
      %dma_start3A_44 = arith.constant 0 : i32
      %dma_start3A_45 = arith.constant 0 : i32
      %dma_start3A_46 = tpu.memref_slice %arg2[%dma_start3A_44, %dma_start3A_45] : memref<10000x128xf32, #tpu.memory_space<hbm>> -> memref<10000x128xf32, #tpu.memory_space<hbm>>
      tpu.enqueue_indirect_dma source(%dma_start3A_46 : memref<10000x128xf32, #tpu.memory_space<hbm>>) target(%arg11 : memref<128x128xf32, #tpu.memory_space<vmem>>) offsets(%dma_start3A_43 : memref<128xi32, #tpu.memory_space<vmem>>) semaphore(%arg13 : memref<!tpu.dma_semaphore, #tpu.memory_space<semaphore_mem>>)
      %dma_wait3A = arith.constant 0 : i32
      %dma_wait3A_47 = tpu.memref_slice %arg8[%add3A_41, %dma_wait3A] : memref<80x128xi32, #tpu.memory_space<vmem>> -> memref<1x128xi32, #tpu.memory_space<vmem>>
      %dma_wait3A_48 = tpu.memref_squeeze %dma_wait3A_47 : memref<1x128xi32, #tpu.memory_space<vmem>> -> memref<128xi32, #tpu.memory_space<vmem>>
      %dma_wait3A_49 = arith.constant 0 : i32
      %dma_wait3A_50 = arith.constant 0 : i32
      %dma_wait3A_51 = tpu.memref_slice %arg2[%dma_wait3A_49, %dma_wait3A_50] : memref<10000x128xf32, #tpu.memory_space<hbm>> -> memref<10000x128xf32, #tpu.memory_space<hbm>>
      tpu.wait_indirect_dma semaphore(%arg13 : memref<!tpu.dma_semaphore, #tpu.memory_space<semaphore_mem>>) src(%dma_wait3A_51 : memref<10000x128xf32, #tpu.memory_space<hbm>>) dst(%arg11 : memref<128x128xf32, #tpu.memory_space<vmem>>)
      "tpu.region"() ({
        %run_scoped3A = tpu.sem_alloc : memref<!tpu.dma_semaphore, #tpu.memory_space<semaphore_mem>>
        %dma_start3A_52 = arith.constant 0 : i32
        %dma_start3A_53 = tpu.memref_slice %arg9[%add3A_41, %dma_start3A_52] : memref<80x128xi32, #tpu.memory_space<vmem>> -> memref<1x128xi32, #tpu.memory_space<vmem>>
        %dma_start3A_54 = tpu.memref_squeeze %dma_start3A_53 : memref<1x128xi32, #tpu.memory_space<vmem>> -> memref<128xi32, #tpu.memory_space<vmem>>
        %dma_start3A_55 = arith.constant 0 : i32
        %dma_start3A_56 = arith.constant 0 : i32
        %dma_start3A_57 = tpu.memref_slice %arg12[%dma_start3A_55, %dma_start3A_56] : memref<5248x128xf32, #tpu.memory_space<vmem_shared>> -> memref<5248x128xf32, #tpu.memory_space<vmem_shared>>
        tpu.enqueue_indirect_dma source(%arg11 : memref<128x128xf32, #tpu.memory_space<vmem>>) target(%dma_start3A_57 : memref<5248x128xf32, #tpu.memory_space<vmem_shared>>) offsets(%dma_start3A_54 : memref<128xi32, #tpu.memory_space<vmem>>) semaphore(%run_scoped3A : memref<!tpu.dma_semaphore, #tpu.memory_space<semaphore_mem>>) {add = true}
        %dma_wait3A_58 = arith.constant 0 : i32
        %dma_wait3A_59 = tpu.memref_slice %arg9[%add3A_41, %dma_wait3A_58] : memref<80x128xi32, #tpu.memory_space<vmem>> -> memref<1x128xi32, #tpu.memory_space<vmem>>
        %dma_wait3A_60 = tpu.memref_squeeze %dma_wait3A_59 : memref<1x128xi32, #tpu.memory_space<vmem>> -> memref<128xi32, #tpu.memory_space<vmem>>
        %dma_wait3A_61 = arith.constant 0 : i32
        %dma_wait3A_62 = arith.constant 0 : i32
        %dma_wait3A_63 = tpu.memref_slice %arg12[%dma_wait3A_61, %dma_wait3A_62] : memref<5248x128xf32, #tpu.memory_space<vmem_shared>> -> memref<5248x128xf32, #tpu.memory_space<vmem_shared>>
        tpu.wait_indirect_dma semaphore(%run_scoped3A : memref<!tpu.dma_semaphore, #tpu.memory_space<semaphore_mem>>) src(%arg11 : memref<128x128xf32, #tpu.memory_space<vmem>>) dst(%dma_wait3A_63 : memref<5248x128xf32, #tpu.memory_space<vmem_shared>>)
        tpu.yield
      }) : () -> ()
    }
    %scan3A_10 = arith.constant 80 : i32
    %barrier3A_11 = arith.constant 0 : index
    tpu.barrier barrier_id(%barrier3A_11)
    %mul3A_12 = arith.constant 320 : i32
    %mul3A_13 = arith.muli %arg1, %mul3A_12 : i32
    %mul3A_14 = arith.constant 320 : i32
    %mul3A_15 = arith.muli %arg1, %mul3A_14 : i32
    %add3A_16 = arith.constant 0 : i32
    %add3A_17 = arith.addi %add3A_16, %mul3A_15 : i32
    "tpu.region"() ({
      %run_scoped3A = tpu.sem_alloc : memref<!tpu.dma_semaphore, #tpu.memory_space<semaphore_mem>>
      %dma_start3A = arith.constant 0 : i32
      %dma_start3A_37 = tpu.memref_slice %arg7[%arg0, %add3A_17, %dma_start3A] : memref<2x10240x128xf32, #tpu.memory_space<hbm>> -> memref<1x320x128xf32, #tpu.memory_space<hbm>>
      %dma_start3A_38 = tpu.memref_squeeze %dma_start3A_37 : memref<1x320x128xf32, #tpu.memory_space<hbm>> -> memref<320x128xf32, #tpu.memory_space<hbm>>
      %dma_start3A_39 = arith.constant 0 : i32
      %dma_start3A_40 = tpu.memref_slice %arg12[%mul3A_13, %dma_start3A_39] : memref<5248x128xf32, #tpu.memory_space<vmem_shared>> -> memref<320x128xf32, #tpu.memory_space<vmem_shared>>
      tpu.enqueue_dma source(%dma_start3A_40 : memref<320x128xf32, #tpu.memory_space<vmem_shared>>) target(%dma_start3A_38 : memref<320x128xf32, #tpu.memory_space<hbm>>) target_semaphore(%run_scoped3A : memref<!tpu.dma_semaphore, #tpu.memory_space<semaphore_mem>>)
      %dma_wait3A = arith.constant 0 : i32
      %dma_wait3A_41 = tpu.memref_slice %arg7[%arg0, %add3A_17, %dma_wait3A] : memref<2x10240x128xf32, #tpu.memory_space<hbm>> -> memref<1x320x128xf32, #tpu.memory_space<hbm>>
      %dma_wait3A_42 = tpu.memref_squeeze %dma_wait3A_41 : memref<1x320x128xf32, #tpu.memory_space<hbm>> -> memref<320x128xf32, #tpu.memory_space<hbm>>
      %dma_wait3A_43 = arith.constant 0 : i32
      %dma_wait3A_44 = tpu.memref_slice %arg12[%mul3A_13, %dma_wait3A_43] : memref<5248x128xf32, #tpu.memory_space<vmem_shared>> -> memref<320x128xf32, #tpu.memory_space<vmem_shared>>
      tpu.wait_dma2 semaphore(%run_scoped3A : memref<!tpu.dma_semaphore, #tpu.memory_space<semaphore_mem>>) src(%dma_wait3A_44 : memref<320x128xf32, #tpu.memory_space<vmem_shared>>) dst(%dma_wait3A_42 : memref<320x128xf32, #tpu.memory_space<hbm>>)
      tpu.yield
    }) : () -> ()
    %barrier3A_18 = arith.constant 0 : index
    tpu.barrier barrier_id(%barrier3A_18)
    %mul3A_19 = arith.constant 328 : i32
    %mul3A_20 = arith.muli %arg1, %mul3A_19 : i32
    %mul3A_21 = arith.constant 328 : i32
    %mul3A_22 = arith.muli %arg1, %mul3A_21 : i32
    "tpu.region"() ({
      %run_scoped3A = tpu.sem_alloc : memref<!tpu.dma_semaphore, #tpu.memory_space<semaphore_mem>>
      %dma_start3A = arith.constant 0 : i32
      %dma_start3A_37 = tpu.memref_slice %arg12[%mul3A_22, %dma_start3A] : memref<5248x128xf32, #tpu.memory_space<vmem_shared>> -> memref<328x128xf32, #tpu.memory_space<vmem_shared>>
      %dma_start3A_38 = arith.constant 0 : i32
      %dma_start3A_39 = tpu.memref_slice %arg6[%mul3A_20, %dma_start3A_38] : memref<5248x128xf32, #tpu.memory_space<hbm>> -> memref<328x128xf32, #tpu.memory_space<hbm>>
      tpu.enqueue_dma source(%dma_start3A_39 : memref<328x128xf32, #tpu.memory_space<hbm>>) target(%dma_start3A_37 : memref<328x128xf32, #tpu.memory_space<vmem_shared>>) target_semaphore(%run_scoped3A : memref<!tpu.dma_semaphore, #tpu.memory_space<semaphore_mem>>)
      %dma_wait3A = arith.constant 0 : i32
      %dma_wait3A_40 = tpu.memref_slice %arg12[%mul3A_22, %dma_wait3A] : memref<5248x128xf32, #tpu.memory_space<vmem_shared>> -> memref<328x128xf32, #tpu.memory_space<vmem_shared>>
      %dma_wait3A_41 = arith.constant 0 : i32
      %dma_wait3A_42 = tpu.memref_slice %arg6[%mul3A_20, %dma_wait3A_41] : memref<5248x128xf32, #tpu.memory_space<hbm>> -> memref<328x128xf32, #tpu.memory_space<hbm>>
      tpu.wait_dma2 semaphore(%run_scoped3A : memref<!tpu.dma_semaphore, #tpu.memory_space<semaphore_mem>>) src(%dma_wait3A_42 : memref<328x128xf32, #tpu.memory_space<hbm>>) dst(%dma_wait3A_40 : memref<328x128xf32, #tpu.memory_space<vmem_shared>>)
      tpu.yield
    }) : () -> ()
    %barrier3A_23 = arith.constant 0 : index
    tpu.barrier barrier_id(%barrier3A_23)
    %scan3A_24 = arith.constant 0 : i32
    %scan3A_25 = arith.constant 80 : i32
    %scan3A_26 = arith.addi %scan3A_24, %scan3A_25 : i32
    %scan3A_27 = arith.constant 1 : i32
    scf.for %scan3A_37 = %scan3A_24 to %scan3A_26 step %scan3A_27  : i32 {
      %mul3A_38 = arith.constant 1 : i32
      %mul3A_39 = arith.muli %scan3A_37, %mul3A_38 : i32
      %add3A_40 = arith.constant 0 : i32
      %add3A_41 = arith.addi %add3A_40, %mul3A_39 : i32
      %dma_start3A = arith.constant 0 : i32
      %dma_start3A_42 = tpu.memref_slice %arg8[%add3A_41, %dma_start3A] : memref<80x128xi32, #tpu.memory_space<vmem>> -> memref<1x128xi32, #tpu.memory_space<vmem>>
      %dma_start3A_43 = tpu.memref_squeeze %dma_start3A_42 : memref<1x128xi32, #tpu.memory_space<vmem>> -> memref<128xi32, #tpu.memory_space<vmem>>
      %dma_start3A_44 = arith.constant 0 : i32
      %dma_start3A_45 = arith.constant 0 : i32
      %dma_start3A_46 = tpu.memref_slice %arg2[%dma_start3A_44, %dma_start3A_45] : memref<10000x128xf32, #tpu.memory_space<hbm>> -> memref<10000x128xf32, #tpu.memory_space<hbm>>
      tpu.enqueue_indirect_dma source(%dma_start3A_46 : memref<10000x128xf32, #tpu.memory_space<hbm>>) target(%arg11 : memref<128x128xf32, #tpu.memory_space<vmem>>) offsets(%dma_start3A_43 : memref<128xi32, #tpu.memory_space<vmem>>) semaphore(%arg13 : memref<!tpu.dma_semaphore, #tpu.memory_space<semaphore_mem>>)
      %dma_wait3A = arith.constant 0 : i32
      %dma_wait3A_47 = tpu.memref_slice %arg8[%add3A_41, %dma_wait3A] : memref<80x128xi32, #tpu.memory_space<vmem>> -> memref<1x128xi32, #tpu.memory_space<vmem>>
      %dma_wait3A_48 = tpu.memref_squeeze %dma_wait3A_47 : memref<1x128xi32, #tpu.memory_space<vmem>> -> memref<128xi32, #tpu.memory_space<vmem>>
      %dma_wait3A_49 = arith.constant 0 : i32
      %dma_wait3A_50 = arith.constant 0 : i32
      %dma_wait3A_51 = tpu.memref_slice %arg2[%dma_wait3A_49, %dma_wait3A_50] : memref<10000x128xf32, #tpu.memory_space<hbm>> -> memref<10000x128xf32, #tpu.memory_space<hbm>>
      tpu.wait_indirect_dma semaphore(%arg13 : memref<!tpu.dma_semaphore, #tpu.memory_space<semaphore_mem>>) src(%dma_wait3A_51 : memref<10000x128xf32, #tpu.memory_space<hbm>>) dst(%arg11 : memref<128x128xf32, #tpu.memory_space<vmem>>)
      "tpu.region"() ({
        %run_scoped3A = tpu.sem_alloc : memref<!tpu.dma_semaphore, #tpu.memory_space<semaphore_mem>>
        %dma_start3A_52 = arith.constant 0 : i32
        %dma_start3A_53 = tpu.memref_slice %arg10[%add3A_41, %dma_start3A_52] : memref<80x128xi32, #tpu.memory_space<vmem>> -> memref<1x128xi32, #tpu.memory_space<vmem>>
        %dma_start3A_54 = tpu.memref_squeeze %dma_start3A_53 : memref<1x128xi32, #tpu.memory_space<vmem>> -> memref<128xi32, #tpu.memory_space<vmem>>
        %dma_start3A_55 = arith.constant 0 : i32
        %dma_start3A_56 = arith.constant 0 : i32
        %dma_start3A_57 = tpu.memref_slice %arg12[%dma_start3A_55, %dma_start3A_56] : memref<5248x128xf32, #tpu.memory_space<vmem_shared>> -> memref<5248x128xf32, #tpu.memory_space<vmem_shared>>
        tpu.enqueue_indirect_dma source(%arg11 : memref<128x128xf32, #tpu.memory_space<vmem>>) target(%dma_start3A_57 : memref<5248x128xf32, #tpu.memory_space<vmem_shared>>) offsets(%dma_start3A_54 : memref<128xi32, #tpu.memory_space<vmem>>) semaphore(%run_scoped3A : memref<!tpu.dma_semaphore, #tpu.memory_space<semaphore_mem>>) {add = true}
        %dma_wait3A_58 = arith.constant 0 : i32
        %dma_wait3A_59 = tpu.memref_slice %arg10[%add3A_41, %dma_wait3A_58] : memref<80x128xi32, #tpu.memory_space<vmem>> -> memref<1x128xi32, #tpu.memory_space<vmem>>
        %dma_wait3A_60 = tpu.memref_squeeze %dma_wait3A_59 : memref<1x128xi32, #tpu.memory_space<vmem>> -> memref<128xi32, #tpu.memory_space<vmem>>
        %dma_wait3A_61 = arith.constant 0 : i32
        %dma_wait3A_62 = arith.constant 0 : i32
        %dma_wait3A_63 = tpu.memref_slice %arg12[%dma_wait3A_61, %dma_wait3A_62] : memref<5248x128xf32, #tpu.memory_space<vmem_shared>> -> memref<5248x128xf32, #tpu.memory_space<vmem_shared>>
        tpu.wait_indirect_dma semaphore(%run_scoped3A : memref<!tpu.dma_semaphore, #tpu.memory_space<semaphore_mem>>) src(%arg11 : memref<128x128xf32, #tpu.memory_space<vmem>>) dst(%dma_wait3A_63 : memref<5248x128xf32, #tpu.memory_space<vmem_shared>>)
        tpu.yield
      }) : () -> ()
    }
    %scan3A_28 = arith.constant 80 : i32
    %barrier3A_29 = arith.constant 0 : index
    tpu.barrier barrier_id(%barrier3A_29)
    %mul3A_30 = arith.constant 320 : i32
    %mul3A_31 = arith.muli %arg1, %mul3A_30 : i32
    %mul3A_32 = arith.constant 320 : i32
    %mul3A_33 = arith.muli %arg1, %mul3A_32 : i32
    %add3A_34 = arith.constant 5120 : i32
    %add3A_35 = arith.addi %add3A_34, %mul3A_33 : i32
    "tpu.region"() ({
      %run_scoped3A = tpu.sem_alloc : memref<!tpu.dma_semaphore, #tpu.memory_space<semaphore_mem>>
      %dma_start3A = arith.constant 0 : i32
      %dma_start3A_37 = tpu.memref_slice %arg7[%arg0, %add3A_35, %dma_start3A] : memref<2x10240x128xf32, #tpu.memory_space<hbm>> -> memref<1x320x128xf32, #tpu.memory_space<hbm>>
      %dma_start3A_38 = tpu.memref_squeeze %dma_start3A_37 : memref<1x320x128xf32, #tpu.memory_space<hbm>> -> memref<320x128xf32, #tpu.memory_space<hbm>>
      %dma_start3A_39 = arith.constant 0 : i32
      %dma_start3A_40 = tpu.memref_slice %arg12[%mul3A_31, %dma_start3A_39] : memref<5248x128xf32, #tpu.memory_space<vmem_shared>> -> memref<320x128xf32, #tpu.memory_space<vmem_shared>>
      tpu.enqueue_dma source(%dma_start3A_40 : memref<320x128xf32, #tpu.memory_space<vmem_shared>>) target(%dma_start3A_38 : memref<320x128xf32, #tpu.memory_space<hbm>>) target_semaphore(%run_scoped3A : memref<!tpu.dma_semaphore, #tpu.memory_space<semaphore_mem>>)
      %dma_wait3A = arith.constant 0 : i32
      %dma_wait3A_41 = tpu.memref_slice %arg7[%arg0, %add3A_35, %dma_wait3A] : memref<2x10240x128xf32, #tpu.memory_space<hbm>> -> memref<1x320x128xf32, #tpu.memory_space<hbm>>
      %dma_wait3A_42 = tpu.memref_squeeze %dma_wait3A_41 : memref<1x320x128xf32, #tpu.memory_space<hbm>> -> memref<320x128xf32, #tpu.memory_space<hbm>>
      %dma_wait3A_43 = arith.constant 0 : i32
      %dma_wait3A_44 = tpu.memref_slice %arg12[%mul3A_31, %dma_wait3A_43] : memref<5248x128xf32, #tpu.memory_space<vmem_shared>> -> memref<320x128xf32, #tpu.memory_space<vmem_shared>>
      tpu.wait_dma2 semaphore(%run_scoped3A : memref<!tpu.dma_semaphore, #tpu.memory_space<semaphore_mem>>) src(%dma_wait3A_44 : memref<320x128xf32, #tpu.memory_space<vmem_shared>>) dst(%dma_wait3A_42 : memref<320x128xf32, #tpu.memory_space<hbm>>)
      tpu.yield
    }) : () -> ()
    %barrier3A_36 = arith.constant 0 : index
    tpu.barrier barrier_id(%barrier3A_36)
    return
  }
}

#map = affine_map<(d0, d1) -> (0, 0)>
#map1 = affine_map<(d0, d1) -> (0, 0, 0)>
module attributes {stable_mosaic.version = 14 : i64} {
  func.func @k(%arg0: i32, %arg1: i32, %arg2: memref<20000x128xf32, #tpu.memory_space<hbm>>, %arg3: memref<2x2560x128xi32, #tpu.memory_space<hbm>>, %arg4: memref<2560x128xi32, #tpu.memory_space<hbm>>, %arg5: memref<2560x128xi32, #tpu.memory_space<hbm>>, %arg6: memref<5248x128xf32, #tpu.memory_space<hbm>>, %arg7: memref<2x10240x128xf32, #tpu.memory_space<hbm>>, %arg8: memref<160x128xi32, #tpu.memory_space<vmem>>, %arg9: memref<160x128xi32, #tpu.memory_space<vmem>>, %arg10: memref<160x128xi32, #tpu.memory_space<vmem>>, %arg11: memref<128x128xf32, #tpu.memory_space<vmem>>, %arg12: memref<5248x128xf32, #tpu.memory_space<vmem_shared>>, %arg13: memref<!tpu.dma_semaphore, #tpu.memory_space<semaphore_mem>>) attributes {dimension_semantics = [#tpu.dimension_semantics<core_parallel>, #tpu.dimension_semantics<subcore_parallel>], iteration_bounds = array<i64: 2, 16>, scalar_prefetch = 0 : i64, scratch_operands = 6 : i64, tpu.core_type = #tpu.core_type<sc_vector_subcore>, window_params = [{transform_indices = #map}, {transform_indices = #map1}, {transform_indices = #map}, {transform_indices = #map}, {transform_indices = #map}, {transform_indices = #map1}]} {
    %mul3A = arith.constant 160 : i32
    %mul3A_0 = arith.muli %arg1, %mul3A : i32
    "tpu.region"() ({
      %run_scoped3A = tpu.sem_alloc : memref<!tpu.dma_semaphore, #tpu.memory_space<semaphore_mem>>
      %dma_start3A = arith.constant 0 : i32
      %dma_start3A_38 = tpu.memref_slice %arg3[%arg0, %mul3A_0, %dma_start3A] : memref<2x2560x128xi32, #tpu.memory_space<hbm>> -> memref<1x160x128xi32, #tpu.memory_space<hbm>>
      %dma_start3A_39 = tpu.memref_squeeze %dma_start3A_38 : memref<1x160x128xi32, #tpu.memory_space<hbm>> -> memref<160x128xi32, #tpu.memory_space<hbm>>
      %dma_start3A_40 = arith.constant 0 : i32
      %dma_start3A_41 = tpu.memref_slice %arg3[%arg0, %mul3A_0, %dma_start3A_40] : memref<2x2560x128xi32, #tpu.memory_space<hbm>> -> memref<1x160x128xi32, #tpu.memory_space<hbm>>
      %dma_start3A_42 = tpu.memref_squeeze %dma_start3A_41 : memref<1x160x128xi32, #tpu.memory_space<hbm>> -> memref<160x128xi32, #tpu.memory_space<hbm>>
      tpu.enqueue_dma source(%dma_start3A_42 : memref<160x128xi32, #tpu.memory_space<hbm>>) target(%arg8 : memref<160x128xi32, #tpu.memory_space<vmem>>) target_semaphore(%run_scoped3A : memref<!tpu.dma_semaphore, #tpu.memory_space<semaphore_mem>>)
      %dma_wait3A = arith.constant 0 : i32
      %dma_wait3A_43 = tpu.memref_slice %arg3[%arg0, %mul3A_0, %dma_wait3A] : memref<2x2560x128xi32, #tpu.memory_space<hbm>> -> memref<1x160x128xi32, #tpu.memory_space<hbm>>
      %dma_wait3A_44 = tpu.memref_squeeze %dma_wait3A_43 : memref<1x160x128xi32, #tpu.memory_space<hbm>> -> memref<160x128xi32, #tpu.memory_space<hbm>>
      %dma_wait3A_45 = arith.constant 0 : i32
      %dma_wait3A_46 = tpu.memref_slice %arg3[%arg0, %mul3A_0, %dma_wait3A_45] : memref<2x2560x128xi32, #tpu.memory_space<hbm>> -> memref<1x160x128xi32, #tpu.memory_space<hbm>>
      %dma_wait3A_47 = tpu.memref_squeeze %dma_wait3A_46 : memref<1x160x128xi32, #tpu.memory_space<hbm>> -> memref<160x128xi32, #tpu.memory_space<hbm>>
      tpu.wait_dma2 semaphore(%run_scoped3A : memref<!tpu.dma_semaphore, #tpu.memory_space<semaphore_mem>>) src(%dma_wait3A_47 : memref<160x128xi32, #tpu.memory_space<hbm>>) dst(%arg8 : memref<160x128xi32, #tpu.memory_space<vmem>>)
      tpu.yield
    }) : () -> ()
    %mul3A_1 = arith.constant 160 : i32
    %mul3A_2 = arith.muli %arg1, %mul3A_1 : i32
    "tpu.region"() ({
      %run_scoped3A = tpu.sem_alloc : memref<!tpu.dma_semaphore, #tpu.memory_space<semaphore_mem>>
      %dma_start3A = arith.constant 0 : i32
      %dma_start3A_38 = tpu.memref_slice %arg4[%mul3A_2, %dma_start3A] : memref<2560x128xi32, #tpu.memory_space<hbm>> -> memref<160x128xi32, #tpu.memory_space<hbm>>
      %dma_start3A_39 = arith.constant 0 : i32
      %dma_start3A_40 = tpu.memref_slice %arg4[%mul3A_2, %dma_start3A_39] : memref<2560x128xi32, #tpu.memory_space<hbm>> -> memref<160x128xi32, #tpu.memory_space<hbm>>
      tpu.enqueue_dma source(%dma_start3A_40 : memref<160x128xi32, #tpu.memory_space<hbm>>) target(%arg9 : memref<160x128xi32, #tpu.memory_space<vmem>>) target_semaphore(%run_scoped3A : memref<!tpu.dma_semaphore, #tpu.memory_space<semaphore_mem>>)
      %dma_wait3A = arith.constant 0 : i32
      %dma_wait3A_41 = tpu.memref_slice %arg4[%mul3A_2, %dma_wait3A] : memref<2560x128xi32, #tpu.memory_space<hbm>> -> memref<160x128xi32, #tpu.memory_space<hbm>>
      %dma_wait3A_42 = arith.constant 0 : i32
      %dma_wait3A_43 = tpu.memref_slice %arg4[%mul3A_2, %dma_wait3A_42] : memref<2560x128xi32, #tpu.memory_space<hbm>> -> memref<160x128xi32, #tpu.memory_space<hbm>>
      tpu.wait_dma2 semaphore(%run_scoped3A : memref<!tpu.dma_semaphore, #tpu.memory_space<semaphore_mem>>) src(%dma_wait3A_43 : memref<160x128xi32, #tpu.memory_space<hbm>>) dst(%arg9 : memref<160x128xi32, #tpu.memory_space<vmem>>)
      tpu.yield
    }) : () -> ()
    %mul3A_3 = arith.constant 160 : i32
    %mul3A_4 = arith.muli %arg1, %mul3A_3 : i32
    "tpu.region"() ({
      %run_scoped3A = tpu.sem_alloc : memref<!tpu.dma_semaphore, #tpu.memory_space<semaphore_mem>>
      %dma_start3A = arith.constant 0 : i32
      %dma_start3A_38 = tpu.memref_slice %arg5[%mul3A_4, %dma_start3A] : memref<2560x128xi32, #tpu.memory_space<hbm>> -> memref<160x128xi32, #tpu.memory_space<hbm>>
      %dma_start3A_39 = arith.constant 0 : i32
      %dma_start3A_40 = tpu.memref_slice %arg5[%mul3A_4, %dma_start3A_39] : memref<2560x128xi32, #tpu.memory_space<hbm>> -> memref<160x128xi32, #tpu.memory_space<hbm>>
      tpu.enqueue_dma source(%dma_start3A_40 : memref<160x128xi32, #tpu.memory_space<hbm>>) target(%arg10 : memref<160x128xi32, #tpu.memory_space<vmem>>) target_semaphore(%run_scoped3A : memref<!tpu.dma_semaphore, #tpu.memory_space<semaphore_mem>>)
      %dma_wait3A = arith.constant 0 : i32
      %dma_wait3A_41 = tpu.memref_slice %arg5[%mul3A_4, %dma_wait3A] : memref<2560x128xi32, #tpu.memory_space<hbm>> -> memref<160x128xi32, #tpu.memory_space<hbm>>
      %dma_wait3A_42 = arith.constant 0 : i32
      %dma_wait3A_43 = tpu.memref_slice %arg5[%mul3A_4, %dma_wait3A_42] : memref<2560x128xi32, #tpu.memory_space<hbm>> -> memref<160x128xi32, #tpu.memory_space<hbm>>
      tpu.wait_dma2 semaphore(%run_scoped3A : memref<!tpu.dma_semaphore, #tpu.memory_space<semaphore_mem>>) src(%dma_wait3A_43 : memref<160x128xi32, #tpu.memory_space<hbm>>) dst(%arg10 : memref<160x128xi32, #tpu.memory_space<vmem>>)
      tpu.yield
    }) : () -> ()
    %mul3A_5 = arith.constant 328 : i32
    %mul3A_6 = arith.muli %arg1, %mul3A_5 : i32
    %mul3A_7 = arith.constant 328 : i32
    %mul3A_8 = arith.muli %arg1, %mul3A_7 : i32
    "tpu.region"() ({
      %run_scoped3A = tpu.sem_alloc : memref<!tpu.dma_semaphore, #tpu.memory_space<semaphore_mem>>
      %dma_start3A = arith.constant 0 : i32
      %dma_start3A_38 = tpu.memref_slice %arg12[%mul3A_8, %dma_start3A] : memref<5248x128xf32, #tpu.memory_space<vmem_shared>> -> memref<328x128xf32, #tpu.memory_space<vmem_shared>>
      %dma_start3A_39 = arith.constant 0 : i32
      %dma_start3A_40 = tpu.memref_slice %arg6[%mul3A_6, %dma_start3A_39] : memref<5248x128xf32, #tpu.memory_space<hbm>> -> memref<328x128xf32, #tpu.memory_space<hbm>>
      tpu.enqueue_dma source(%dma_start3A_40 : memref<328x128xf32, #tpu.memory_space<hbm>>) target(%dma_start3A_38 : memref<328x128xf32, #tpu.memory_space<vmem_shared>>) target_semaphore(%run_scoped3A : memref<!tpu.dma_semaphore, #tpu.memory_space<semaphore_mem>>)
      %dma_wait3A = arith.constant 0 : i32
      %dma_wait3A_41 = tpu.memref_slice %arg12[%mul3A_8, %dma_wait3A] : memref<5248x128xf32, #tpu.memory_space<vmem_shared>> -> memref<328x128xf32, #tpu.memory_space<vmem_shared>>
      %dma_wait3A_42 = arith.constant 0 : i32
      %dma_wait3A_43 = tpu.memref_slice %arg6[%mul3A_6, %dma_wait3A_42] : memref<5248x128xf32, #tpu.memory_space<hbm>> -> memref<328x128xf32, #tpu.memory_space<hbm>>
      tpu.wait_dma2 semaphore(%run_scoped3A : memref<!tpu.dma_semaphore, #tpu.memory_space<semaphore_mem>>) src(%dma_wait3A_43 : memref<328x128xf32, #tpu.memory_space<hbm>>) dst(%dma_wait3A_41 : memref<328x128xf32, #tpu.memory_space<vmem_shared>>)
      tpu.yield
    }) : () -> ()
    %barrier3A = arith.constant 0 : index
    tpu.barrier barrier_id(%barrier3A)
    %scan3A = arith.constant 0 : i32
    %scan3A_9 = arith.constant 160 : i32
    %scan3A_10 = arith.addi %scan3A, %scan3A_9 : i32
    %scan3A_11 = arith.constant 1 : i32
    scf.for %scan3A_38 = %scan3A to %scan3A_10 step %scan3A_11  : i32 {
      %mul3A_39 = arith.constant 1 : i32
      %mul3A_40 = arith.muli %scan3A_38, %mul3A_39 : i32
      %add3A_41 = arith.constant 0 : i32
      %add3A_42 = arith.addi %add3A_41, %mul3A_40 : i32
      %dma_start3A = arith.constant 0 : i32
      %dma_start3A_43 = tpu.memref_slice %arg8[%add3A_42, %dma_start3A] : memref<160x128xi32, #tpu.memory_space<vmem>> -> memref<1x128xi32, #tpu.memory_space<vmem>>
      %dma_start3A_44 = tpu.memref_squeeze %dma_start3A_43 : memref<1x128xi32, #tpu.memory_space<vmem>> -> memref<128xi32, #tpu.memory_space<vmem>>
      %dma_start3A_45 = arith.constant 0 : i32
      %dma_start3A_46 = arith.constant 0 : i32
      %dma_start3A_47 = tpu.memref_slice %arg2[%dma_start3A_45, %dma_start3A_46] : memref<20000x128xf32, #tpu.memory_space<hbm>> -> memref<20000x128xf32, #tpu.memory_space<hbm>>
      tpu.enqueue_indirect_dma source(%dma_start3A_47 : memref<20000x128xf32, #tpu.memory_space<hbm>>) target(%arg11 : memref<128x128xf32, #tpu.memory_space<vmem>>) offsets(%dma_start3A_44 : memref<128xi32, #tpu.memory_space<vmem>>) semaphore(%arg13 : memref<!tpu.dma_semaphore, #tpu.memory_space<semaphore_mem>>)
      %dma_wait3A = arith.constant 0 : i32
      %dma_wait3A_48 = tpu.memref_slice %arg8[%add3A_42, %dma_wait3A] : memref<160x128xi32, #tpu.memory_space<vmem>> -> memref<1x128xi32, #tpu.memory_space<vmem>>
      %dma_wait3A_49 = tpu.memref_squeeze %dma_wait3A_48 : memref<1x128xi32, #tpu.memory_space<vmem>> -> memref<128xi32, #tpu.memory_space<vmem>>
      %dma_wait3A_50 = arith.constant 0 : i32
      %dma_wait3A_51 = arith.constant 0 : i32
      %dma_wait3A_52 = tpu.memref_slice %arg2[%dma_wait3A_50, %dma_wait3A_51] : memref<20000x128xf32, #tpu.memory_space<hbm>> -> memref<20000x128xf32, #tpu.memory_space<hbm>>
      tpu.wait_indirect_dma semaphore(%arg13 : memref<!tpu.dma_semaphore, #tpu.memory_space<semaphore_mem>>) src(%dma_wait3A_52 : memref<20000x128xf32, #tpu.memory_space<hbm>>) dst(%arg11 : memref<128x128xf32, #tpu.memory_space<vmem>>)
      "tpu.region"() ({
        %run_scoped3A = tpu.sem_alloc : memref<!tpu.dma_semaphore, #tpu.memory_space<semaphore_mem>>
        %dma_start3A_53 = arith.constant 0 : i32
        %dma_start3A_54 = tpu.memref_slice %arg9[%add3A_42, %dma_start3A_53] : memref<160x128xi32, #tpu.memory_space<vmem>> -> memref<1x128xi32, #tpu.memory_space<vmem>>
        %dma_start3A_55 = tpu.memref_squeeze %dma_start3A_54 : memref<1x128xi32, #tpu.memory_space<vmem>> -> memref<128xi32, #tpu.memory_space<vmem>>
        %dma_start3A_56 = arith.constant 0 : i32
        %dma_start3A_57 = arith.constant 0 : i32
        %dma_start3A_58 = tpu.memref_slice %arg12[%dma_start3A_56, %dma_start3A_57] : memref<5248x128xf32, #tpu.memory_space<vmem_shared>> -> memref<5248x128xf32, #tpu.memory_space<vmem_shared>>
        tpu.enqueue_indirect_dma source(%arg11 : memref<128x128xf32, #tpu.memory_space<vmem>>) target(%dma_start3A_58 : memref<5248x128xf32, #tpu.memory_space<vmem_shared>>) offsets(%dma_start3A_55 : memref<128xi32, #tpu.memory_space<vmem>>) semaphore(%run_scoped3A : memref<!tpu.dma_semaphore, #tpu.memory_space<semaphore_mem>>) {add = true}
        %dma_wait3A_59 = arith.constant 0 : i32
        %dma_wait3A_60 = tpu.memref_slice %arg9[%add3A_42, %dma_wait3A_59] : memref<160x128xi32, #tpu.memory_space<vmem>> -> memref<1x128xi32, #tpu.memory_space<vmem>>
        %dma_wait3A_61 = tpu.memref_squeeze %dma_wait3A_60 : memref<1x128xi32, #tpu.memory_space<vmem>> -> memref<128xi32, #tpu.memory_space<vmem>>
        %dma_wait3A_62 = arith.constant 0 : i32
        %dma_wait3A_63 = arith.constant 0 : i32
        %dma_wait3A_64 = tpu.memref_slice %arg12[%dma_wait3A_62, %dma_wait3A_63] : memref<5248x128xf32, #tpu.memory_space<vmem_shared>> -> memref<5248x128xf32, #tpu.memory_space<vmem_shared>>
        tpu.wait_indirect_dma semaphore(%run_scoped3A : memref<!tpu.dma_semaphore, #tpu.memory_space<semaphore_mem>>) src(%arg11 : memref<128x128xf32, #tpu.memory_space<vmem>>) dst(%dma_wait3A_64 : memref<5248x128xf32, #tpu.memory_space<vmem_shared>>)
        tpu.yield
      }) : () -> ()
    }
    %scan3A_12 = arith.constant 160 : i32
    %barrier3A_13 = arith.constant 0 : index
    tpu.barrier barrier_id(%barrier3A_13)
    %mul3A_14 = arith.constant 320 : i32
    %mul3A_15 = arith.muli %arg1, %mul3A_14 : i32
    %mul3A_16 = arith.constant 320 : i32
    %mul3A_17 = arith.muli %arg1, %mul3A_16 : i32
    %add3A = arith.constant 0 : i32
    %add3A_18 = arith.addi %add3A, %mul3A_17 : i32
    "tpu.region"() ({
      %run_scoped3A = tpu.sem_alloc : memref<!tpu.dma_semaphore, #tpu.memory_space<semaphore_mem>>
      %dma_start3A = arith.constant 0 : i32
      %dma_start3A_38 = tpu.memref_slice %arg7[%arg0, %add3A_18, %dma_start3A] : memref<2x10240x128xf32, #tpu.memory_space<hbm>> -> memref<1x320x128xf32, #tpu.memory_space<hbm>>
      %dma_start3A_39 = tpu.memref_squeeze %dma_start3A_38 : memref<1x320x128xf32, #tpu.memory_space<hbm>> -> memref<320x128xf32, #tpu.memory_space<hbm>>
      %dma_start3A_40 = arith.constant 0 : i32
      %dma_start3A_41 = tpu.memref_slice %arg12[%mul3A_15, %dma_start3A_40] : memref<5248x128xf32, #tpu.memory_space<vmem_shared>> -> memref<320x128xf32, #tpu.memory_space<vmem_shared>>
      tpu.enqueue_dma source(%dma_start3A_41 : memref<320x128xf32, #tpu.memory_space<vmem_shared>>) target(%dma_start3A_39 : memref<320x128xf32, #tpu.memory_space<hbm>>) target_semaphore(%run_scoped3A : memref<!tpu.dma_semaphore, #tpu.memory_space<semaphore_mem>>)
      %dma_wait3A = arith.constant 0 : i32
      %dma_wait3A_42 = tpu.memref_slice %arg7[%arg0, %add3A_18, %dma_wait3A] : memref<2x10240x128xf32, #tpu.memory_space<hbm>> -> memref<1x320x128xf32, #tpu.memory_space<hbm>>
      %dma_wait3A_43 = tpu.memref_squeeze %dma_wait3A_42 : memref<1x320x128xf32, #tpu.memory_space<hbm>> -> memref<320x128xf32, #tpu.memory_space<hbm>>
      %dma_wait3A_44 = arith.constant 0 : i32
      %dma_wait3A_45 = tpu.memref_slice %arg12[%mul3A_15, %dma_wait3A_44] : memref<5248x128xf32, #tpu.memory_space<vmem_shared>> -> memref<320x128xf32, #tpu.memory_space<vmem_shared>>
      tpu.wait_dma2 semaphore(%run_scoped3A : memref<!tpu.dma_semaphore, #tpu.memory_space<semaphore_mem>>) src(%dma_wait3A_45 : memref<320x128xf32, #tpu.memory_space<vmem_shared>>) dst(%dma_wait3A_43 : memref<320x128xf32, #tpu.memory_space<hbm>>)
      tpu.yield
    }) : () -> ()
    %barrier3A_19 = arith.constant 0 : index
    tpu.barrier barrier_id(%barrier3A_19)
    %mul3A_20 = arith.constant 328 : i32
    %mul3A_21 = arith.muli %arg1, %mul3A_20 : i32
    %mul3A_22 = arith.constant 328 : i32
    %mul3A_23 = arith.muli %arg1, %mul3A_22 : i32
    "tpu.region"() ({
      %run_scoped3A = tpu.sem_alloc : memref<!tpu.dma_semaphore, #tpu.memory_space<semaphore_mem>>
      %dma_start3A = arith.constant 0 : i32
      %dma_start3A_38 = tpu.memref_slice %arg12[%mul3A_23, %dma_start3A] : memref<5248x128xf32, #tpu.memory_space<vmem_shared>> -> memref<328x128xf32, #tpu.memory_space<vmem_shared>>
      %dma_start3A_39 = arith.constant 0 : i32
      %dma_start3A_40 = tpu.memref_slice %arg6[%mul3A_21, %dma_start3A_39] : memref<5248x128xf32, #tpu.memory_space<hbm>> -> memref<328x128xf32, #tpu.memory_space<hbm>>
      tpu.enqueue_dma source(%dma_start3A_40 : memref<328x128xf32, #tpu.memory_space<hbm>>) target(%dma_start3A_38 : memref<328x128xf32, #tpu.memory_space<vmem_shared>>) target_semaphore(%run_scoped3A : memref<!tpu.dma_semaphore, #tpu.memory_space<semaphore_mem>>)
      %dma_wait3A = arith.constant 0 : i32
      %dma_wait3A_41 = tpu.memref_slice %arg12[%mul3A_23, %dma_wait3A] : memref<5248x128xf32, #tpu.memory_space<vmem_shared>> -> memref<328x128xf32, #tpu.memory_space<vmem_shared>>
      %dma_wait3A_42 = arith.constant 0 : i32
      %dma_wait3A_43 = tpu.memref_slice %arg6[%mul3A_21, %dma_wait3A_42] : memref<5248x128xf32, #tpu.memory_space<hbm>> -> memref<328x128xf32, #tpu.memory_space<hbm>>
      tpu.wait_dma2 semaphore(%run_scoped3A : memref<!tpu.dma_semaphore, #tpu.memory_space<semaphore_mem>>) src(%dma_wait3A_43 : memref<328x128xf32, #tpu.memory_space<hbm>>) dst(%dma_wait3A_41 : memref<328x128xf32, #tpu.memory_space<vmem_shared>>)
      tpu.yield
    }) : () -> ()
    %barrier3A_24 = arith.constant 0 : index
    tpu.barrier barrier_id(%barrier3A_24)
    %scan3A_25 = arith.constant 0 : i32
    %scan3A_26 = arith.constant 160 : i32
    %scan3A_27 = arith.addi %scan3A_25, %scan3A_26 : i32
    %scan3A_28 = arith.constant 1 : i32
    scf.for %scan3A_38 = %scan3A_25 to %scan3A_27 step %scan3A_28  : i32 {
      %mul3A_39 = arith.constant 1 : i32
      %mul3A_40 = arith.muli %scan3A_38, %mul3A_39 : i32
      %add3A_41 = arith.constant 0 : i32
      %add3A_42 = arith.addi %add3A_41, %mul3A_40 : i32
      %dma_start3A = arith.constant 0 : i32
      %dma_start3A_43 = tpu.memref_slice %arg8[%add3A_42, %dma_start3A] : memref<160x128xi32, #tpu.memory_space<vmem>> -> memref<1x128xi32, #tpu.memory_space<vmem>>
      %dma_start3A_44 = tpu.memref_squeeze %dma_start3A_43 : memref<1x128xi32, #tpu.memory_space<vmem>> -> memref<128xi32, #tpu.memory_space<vmem>>
      %dma_start3A_45 = arith.constant 0 : i32
      %dma_start3A_46 = arith.constant 0 : i32
      %dma_start3A_47 = tpu.memref_slice %arg2[%dma_start3A_45, %dma_start3A_46] : memref<20000x128xf32, #tpu.memory_space<hbm>> -> memref<20000x128xf32, #tpu.memory_space<hbm>>
      tpu.enqueue_indirect_dma source(%dma_start3A_47 : memref<20000x128xf32, #tpu.memory_space<hbm>>) target(%arg11 : memref<128x128xf32, #tpu.memory_space<vmem>>) offsets(%dma_start3A_44 : memref<128xi32, #tpu.memory_space<vmem>>) semaphore(%arg13 : memref<!tpu.dma_semaphore, #tpu.memory_space<semaphore_mem>>)
      %dma_wait3A = arith.constant 0 : i32
      %dma_wait3A_48 = tpu.memref_slice %arg8[%add3A_42, %dma_wait3A] : memref<160x128xi32, #tpu.memory_space<vmem>> -> memref<1x128xi32, #tpu.memory_space<vmem>>
      %dma_wait3A_49 = tpu.memref_squeeze %dma_wait3A_48 : memref<1x128xi32, #tpu.memory_space<vmem>> -> memref<128xi32, #tpu.memory_space<vmem>>
      %dma_wait3A_50 = arith.constant 0 : i32
      %dma_wait3A_51 = arith.constant 0 : i32
      %dma_wait3A_52 = tpu.memref_slice %arg2[%dma_wait3A_50, %dma_wait3A_51] : memref<20000x128xf32, #tpu.memory_space<hbm>> -> memref<20000x128xf32, #tpu.memory_space<hbm>>
      tpu.wait_indirect_dma semaphore(%arg13 : memref<!tpu.dma_semaphore, #tpu.memory_space<semaphore_mem>>) src(%dma_wait3A_52 : memref<20000x128xf32, #tpu.memory_space<hbm>>) dst(%arg11 : memref<128x128xf32, #tpu.memory_space<vmem>>)
      "tpu.region"() ({
        %run_scoped3A = tpu.sem_alloc : memref<!tpu.dma_semaphore, #tpu.memory_space<semaphore_mem>>
        %dma_start3A_53 = arith.constant 0 : i32
        %dma_start3A_54 = tpu.memref_slice %arg10[%add3A_42, %dma_start3A_53] : memref<160x128xi32, #tpu.memory_space<vmem>> -> memref<1x128xi32, #tpu.memory_space<vmem>>
        %dma_start3A_55 = tpu.memref_squeeze %dma_start3A_54 : memref<1x128xi32, #tpu.memory_space<vmem>> -> memref<128xi32, #tpu.memory_space<vmem>>
        %dma_start3A_56 = arith.constant 0 : i32
        %dma_start3A_57 = arith.constant 0 : i32
        %dma_start3A_58 = tpu.memref_slice %arg12[%dma_start3A_56, %dma_start3A_57] : memref<5248x128xf32, #tpu.memory_space<vmem_shared>> -> memref<5248x128xf32, #tpu.memory_space<vmem_shared>>
        tpu.enqueue_indirect_dma source(%arg11 : memref<128x128xf32, #tpu.memory_space<vmem>>) target(%dma_start3A_58 : memref<5248x128xf32, #tpu.memory_space<vmem_shared>>) offsets(%dma_start3A_55 : memref<128xi32, #tpu.memory_space<vmem>>) semaphore(%run_scoped3A : memref<!tpu.dma_semaphore, #tpu.memory_space<semaphore_mem>>) {add = true}
        %dma_wait3A_59 = arith.constant 0 : i32
        %dma_wait3A_60 = tpu.memref_slice %arg10[%add3A_42, %dma_wait3A_59] : memref<160x128xi32, #tpu.memory_space<vmem>> -> memref<1x128xi32, #tpu.memory_space<vmem>>
        %dma_wait3A_61 = tpu.memref_squeeze %dma_wait3A_60 : memref<1x128xi32, #tpu.memory_space<vmem>> -> memref<128xi32, #tpu.memory_space<vmem>>
        %dma_wait3A_62 = arith.constant 0 : i32
        %dma_wait3A_63 = arith.constant 0 : i32
        %dma_wait3A_64 = tpu.memref_slice %arg12[%dma_wait3A_62, %dma_wait3A_63] : memref<5248x128xf32, #tpu.memory_space<vmem_shared>> -> memref<5248x128xf32, #tpu.memory_space<vmem_shared>>
        tpu.wait_indirect_dma semaphore(%run_scoped3A : memref<!tpu.dma_semaphore, #tpu.memory_space<semaphore_mem>>) src(%arg11 : memref<128x128xf32, #tpu.memory_space<vmem>>) dst(%dma_wait3A_64 : memref<5248x128xf32, #tpu.memory_space<vmem_shared>>)
        tpu.yield
      }) : () -> ()
    }
    %scan3A_29 = arith.constant 160 : i32
    %barrier3A_30 = arith.constant 0 : index
    tpu.barrier barrier_id(%barrier3A_30)
    %mul3A_31 = arith.constant 320 : i32
    %mul3A_32 = arith.muli %arg1, %mul3A_31 : i32
    %mul3A_33 = arith.constant 320 : i32
    %mul3A_34 = arith.muli %arg1, %mul3A_33 : i32
    %add3A_35 = arith.constant 5120 : i32
    %add3A_36 = arith.addi %add3A_35, %mul3A_34 : i32
    "tpu.region"() ({
      %run_scoped3A = tpu.sem_alloc : memref<!tpu.dma_semaphore, #tpu.memory_space<semaphore_mem>>
      %dma_start3A = arith.constant 0 : i32
      %dma_start3A_38 = tpu.memref_slice %arg7[%arg0, %add3A_36, %dma_start3A] : memref<2x10240x128xf32, #tpu.memory_space<hbm>> -> memref<1x320x128xf32, #tpu.memory_space<hbm>>
      %dma_start3A_39 = tpu.memref_squeeze %dma_start3A_38 : memref<1x320x128xf32, #tpu.memory_space<hbm>> -> memref<320x128xf32, #tpu.memory_space<hbm>>
      %dma_start3A_40 = arith.constant 0 : i32
      %dma_start3A_41 = tpu.memref_slice %arg12[%mul3A_32, %dma_start3A_40] : memref<5248x128xf32, #tpu.memory_space<vmem_shared>> -> memref<320x128xf32, #tpu.memory_space<vmem_shared>>
      tpu.enqueue_dma source(%dma_start3A_41 : memref<320x128xf32, #tpu.memory_space<vmem_shared>>) target(%dma_start3A_39 : memref<320x128xf32, #tpu.memory_space<hbm>>) target_semaphore(%run_scoped3A : memref<!tpu.dma_semaphore, #tpu.memory_space<semaphore_mem>>)
      %dma_wait3A = arith.constant 0 : i32
      %dma_wait3A_42 = tpu.memref_slice %arg7[%arg0, %add3A_36, %dma_wait3A] : memref<2x10240x128xf32, #tpu.memory_space<hbm>> -> memref<1x320x128xf32, #tpu.memory_space<hbm>>
      %dma_wait3A_43 = tpu.memref_squeeze %dma_wait3A_42 : memref<1x320x128xf32, #tpu.memory_space<hbm>> -> memref<320x128xf32, #tpu.memory_space<hbm>>
      %dma_wait3A_44 = arith.constant 0 : i32
      %dma_wait3A_45 = tpu.memref_slice %arg12[%mul3A_32, %dma_wait3A_44] : memref<5248x128xf32, #tpu.memory_space<vmem_shared>> -> memref<320x128xf32, #tpu.memory_space<vmem_shared>>
      tpu.wait_dma2 semaphore(%run_scoped3A : memref<!tpu.dma_semaphore, #tpu.memory_space<semaphore_mem>>) src(%dma_wait3A_45 : memref<320x128xf32, #tpu.memory_space<vmem_shared>>) dst(%dma_wait3A_43 : memref<320x128xf32, #tpu.memory_space<hbm>>)
      tpu.yield
    }) : () -> ()
    %barrier3A_37 = arith.constant 0 : index
    tpu.barrier barrier_id(%barrier3A_37)
    return
  }
}

module attributes {stable_mosaic.version = 14 : i64} {
  func.func @_tc1_body(%arg0: i32, %arg1: memref<1000x128xf32, #tpu.memory_space<vmem>>, %arg2: memref<2x1000x128xf32, #tpu.memory_space<vmem>>, %arg3: memref<128x256xf32, #tpu.memory_space<vmem>>, %arg4: memref<128x256xf32, #tpu.memory_space<vmem>>, %arg5: memref<1x256xf32, #tpu.memory_space<vmem>>, %arg6: memref<2x1000x128xf32, #tpu.memory_space<vmem>>) attributes {dimension_semantics = [#tpu.dimension_semantics<arbitrary>], iteration_bounds = array<i64: 10>, scalar_prefetch = 0 : i64, scratch_operands = 0 : i64, tpu.core_type = #tpu.core_type<tc>, window_params = [{transform_indices = @transform_0, window_bounds = array<i64: 1000, 128>}, {transform_indices = @transform_1, window_bounds = array<i64: 2, 1000, 128>}, {pipeline_mode = #tpu.pipeline_mode<synchronous>, transform_indices = @transform_2, window_bounds = array<i64: 128, 256>}, {pipeline_mode = #tpu.pipeline_mode<synchronous>, transform_indices = @transform_3, window_bounds = array<i64: 128, 256>}, {pipeline_mode = #tpu.pipeline_mode<synchronous>, transform_indices = @transform_4, window_bounds = array<i64: 1, 256>}, {transform_indices = @transform_5, window_bounds = array<i64: 2, 1000, 128>}]} {
    %get3A = arith.constant 0 : index
    %get3A_0 = arith.constant 0 : index
    %get3A_1 = arith.constant 0 : index
    %get3A_2 = vector.load %arg2[%get3A, %get3A_0, %get3A_1] : memref<2x1000x128xf32, #tpu.memory_space<vmem>>, vector<1x1000x128xf32>
    %get3A_3 = vector.shape_cast %get3A_2 : vector<1x1000x128xf32> to vector<1000x128xf32>
    %get3A_4 = arith.constant 1 : index
    %get3A_5 = arith.constant 0 : index
    %get3A_6 = arith.constant 0 : index
    %get3A_7 = vector.load %arg2[%get3A_4, %get3A_5, %get3A_6] : memref<2x1000x128xf32, #tpu.memory_space<vmem>>, vector<1x1000x128xf32>
    %get3A_8 = vector.shape_cast %get3A_7 : vector<1x1000x128xf32> to vector<1000x128xf32>
    %add3A = arith.addf %get3A_3, %get3A_8 : vector<1000x128xf32>
    %get3A_9 = arith.constant 0 : index
    %get3A_10 = arith.constant 0 : index
    %get3A_11 = vector.load %arg3[%get3A_9, %get3A_10] : memref<128x256xf32, #tpu.memory_space<vmem>>, vector<128x256xf32>
    %dot_general3A = arith.constant dense<0.000000e+00> : vector<1000x256xf32>
    %dot_general3A_12 = tpu.matmul %add3A, %get3A_11, %dot_general3A {dimension_numbers = #tpu.dot_dimension_numbers<[1], [0], [0], [1], [0, 0, 1, 1], [], []>, transpose_lhs_hint = false} : vector<1000x128xf32>, vector<128x256xf32>, vector<1000x256xf32> -> vector<1000x256xf32>
    %get3A_13 = arith.constant 0 : index
    %get3A_14 = arith.constant 0 : index
    %get3A_15 = vector.load %arg1[%get3A_13, %get3A_14] : memref<1000x128xf32, #tpu.memory_space<vmem>>, vector<1000x128xf32>
    %get3A_16 = arith.constant 0 : index
    %get3A_17 = arith.constant 0 : index
    %get3A_18 = vector.load %arg4[%get3A_16, %get3A_17] : memref<128x256xf32, #tpu.memory_space<vmem>>, vector<128x256xf32>
    %dot_general3A_19 = arith.constant dense<0.000000e+00> : vector<1000x256xf32>
    %dot_general3A_20 = tpu.matmul %get3A_15, %get3A_18, %dot_general3A_19 {dimension_numbers = #tpu.dot_dimension_numbers<[1], [0], [0], [1], [0, 0, 1, 1], [], []>, transpose_lhs_hint = false} : vector<1000x128xf32>, vector<128x256xf32>, vector<1000x256xf32> -> vector<1000x256xf32>
    %add3A_21 = arith.addf %dot_general3A_12, %dot_general3A_20 : vector<1000x256xf32>
    %get3A_22 = arith.constant 0 : index
    %get3A_23 = arith.constant 0 : index
    %get3A_24 = vector.load %arg5[%get3A_22, %get3A_23] : memref<1x256xf32, #tpu.memory_space<vmem>>, vector<1x256xf32>
    %add3A_25 = vector.broadcast %get3A_24 : vector<1x256xf32> to vector<1000x256xf32>
    %add3A_26 = arith.addf %add3A_21, %add3A_25 : vector<1000x256xf32>
    %max3A = arith.constant 0.000000e+00 : f32
    %max3A_27 = vector.broadcast %max3A : f32 to vector<1000x256xf32>
    %max3A_28 = arith.maximumf %add3A_26, %max3A_27 : vector<1000x256xf32>
    %slice3A = vector.extract_strided_slice %max3A_28 {offsets = [0, 0], sizes = [1000, 128], strides = [1, 1]} : vector<1000x256xf32> to vector<1000x128xf32>
    %swap3A = arith.constant 0 : index
    %swap3A_29 = arith.constant 0 : index
    %swap3A_30 = arith.constant 0 : index
    %swap3A_31 = vector.load %arg6[%swap3A, %swap3A_29, %swap3A_30] : memref<2x1000x128xf32, #tpu.memory_space<vmem>>, vector<1x1000x128xf32>
    %swap3A_32 = vector.shape_cast %swap3A_31 : vector<1x1000x128xf32> to vector<1000x128xf32>
    %swap3A_33 = vector.shape_cast %slice3A : vector<1000x128xf32> to vector<1x1000x128xf32>
    tpu.vector_store %arg6[%swap3A, %swap3A_29, %swap3A_30], %swap3A_33 {strides = array<i32>} : memref<2x1000x128xf32, #tpu.memory_space<vmem>>, vector<1x1000x128xf32>,
    %slice3A_34 = vector.extract_strided_slice %max3A_28 {offsets = [0, 128], sizes = [1000, 128], strides = [1, 1]} : vector<1000x256xf32> to vector<1000x128xf32>
    %swap3A_35 = arith.constant 1 : index
    %swap3A_36 = arith.constant 0 : index
    %swap3A_37 = arith.constant 0 : index
    %swap3A_38 = vector.load %arg6[%swap3A_35, %swap3A_36, %swap3A_37] : memref<2x1000x128xf32, #tpu.memory_space<vmem>>, vector<1x1000x128xf32>
    %swap3A_39 = vector.shape_cast %swap3A_38 : vector<1x1000x128xf32> to vector<1000x128xf32>
    %swap3A_40 = vector.shape_cast %slice3A_34 : vector<1000x128xf32> to vector<1x1000x128xf32>
    tpu.vector_store %arg6[%swap3A_35, %swap3A_36, %swap3A_37], %swap3A_40 {strides = array<i32>} : memref<2x1000x128xf32, #tpu.memory_space<vmem>>, vector<1x1000x128xf32>,
    return
  }
  func.func @transform_0(%arg0: i32) -> (i32, i32) {
    %c0_i32 = arith.constant 0 : i32
    %c0_i32_0 = arith.constant 0 : i32
    return %arg0, %c0_i32 : i32, i32
  }
  func.func @transform_1(%arg0: i32) -> (i32, i32, i32) {
    %c0_i32 = arith.constant 0 : i32
    %c0_i32_0 = arith.constant 0 : i32
    %c0_i32_1 = arith.constant 0 : i32
    return %c0_i32, %arg0, %c0_i32_0 : i32, i32, i32
  }
  func.func @transform_2(%arg0: i32) -> (i32, i32) {
    %c0_i32 = arith.constant 0 : i32
    %c0_i32_0 = arith.constant 0 : i32
    %c0_i32_1 = arith.constant 0 : i32
    return %c0_i32, %c0_i32_0 : i32, i32
  }
  func.func @transform_3(%arg0: i32) -> (i32, i32) {
    %c0_i32 = arith.constant 0 : i32
    %c0_i32_0 = arith.constant 0 : i32
    %c0_i32_1 = arith.constant 0 : i32
    return %c0_i32, %c0_i32_0 : i32, i32
  }
  func.func @transform_4(%arg0: i32) -> (i32, i32) {
    %c0_i32 = arith.constant 0 : i32
    %c0_i32_0 = arith.constant 0 : i32
    %c0_i32_1 = arith.constant 0 : i32
    return %c0_i32, %c0_i32_0 : i32, i32
  }
  func.func @transform_5(%arg0: i32) -> (i32, i32, i32) {
    %c0_i32 = arith.constant 0 : i32
    %c0_i32_0 = arith.constant 0 : i32
    %c0_i32_1 = arith.constant 0 : i32
    return %c0_i32, %arg0, %c0_i32_0 : i32, i32, i32
  }
}

module attributes {stable_mosaic.version = 14 : i64} {
  func.func @_tc2_body(%arg0: i32, %arg1: memref<2x1000x128xf32, #tpu.memory_space<vmem>>, %arg2: memref<2x1000x128xf32, #tpu.memory_space<vmem>>, %arg3: memref<256x1024xf32, #tpu.memory_space<vmem>>, %arg4: memref<256x1024xf32, #tpu.memory_space<vmem>>, %arg5: memref<1x1024xf32, #tpu.memory_space<vmem>>, %arg6: memref<1024x128xf32, #tpu.memory_space<vmem>>, %arg7: memref<1x128xf32, #tpu.memory_space<vmem>>, %arg8: memref<1000x128xf32, #tpu.memory_space<vmem>>) attributes {dimension_semantics = [#tpu.dimension_semantics<arbitrary>], iteration_bounds = array<i64: 10>, scalar_prefetch = 0 : i64, scratch_operands = 0 : i64, tpu.core_type = #tpu.core_type<tc>, window_params = [{transform_indices = @transform_0, window_bounds = array<i64: 2, 1000, 128>}, {transform_indices = @transform_1, window_bounds = array<i64: 2, 1000, 128>}, {pipeline_mode = #tpu.pipeline_mode<synchronous>, transform_indices = @transform_2, window_bounds = array<i64: 256, 1024>}, {pipeline_mode = #tpu.pipeline_mode<synchronous>, transform_indices = @transform_3, window_bounds = array<i64: 256, 1024>}, {pipeline_mode = #tpu.pipeline_mode<synchronous>, transform_indices = @transform_4, window_bounds = array<i64: 1, 1024>}, {pipeline_mode = #tpu.pipeline_mode<synchronous>, transform_indices = @transform_5, window_bounds = array<i64: 1024, 128>}, {pipeline_mode = #tpu.pipeline_mode<synchronous>, transform_indices = @transform_6, window_bounds = array<i64: 1, 128>}, {transform_indices = @transform_7, window_bounds = array<i64: 1000, 128>}]} {
    %get3A = arith.constant 0 : index
    %get3A_0 = arith.constant 0 : index
    %get3A_1 = arith.constant 0 : index
    %get3A_2 = vector.load %arg1[%get3A, %get3A_0, %get3A_1] : memref<2x1000x128xf32, #tpu.memory_space<vmem>>, vector<1x1000x128xf32>
    %get3A_3 = vector.shape_cast %get3A_2 : vector<1x1000x128xf32> to vector<1000x128xf32>
    %get3A_4 = arith.constant 0 : index
    %get3A_5 = arith.constant 0 : index
    %get3A_6 = vector.load %arg3[%get3A_4, %get3A_5] : memref<256x1024xf32, #tpu.memory_space<vmem>>, vector<128x1024xf32>
    %dot_general3A = arith.constant dense<0.000000e+00> : vector<1000x1024xf32>
    %dot_general3A_7 = tpu.matmul %get3A_3, %get3A_6, %dot_general3A {dimension_numbers = #tpu.dot_dimension_numbers<[1], [0], [0], [1], [0, 0, 1, 1], [], []>, transpose_lhs_hint = false} : vector<1000x128xf32>, vector<128x1024xf32>, vector<1000x1024xf32> -> vector<1000x1024xf32>
    %get3A_8 = arith.constant 1 : index
    %get3A_9 = arith.constant 0 : index
    %get3A_10 = arith.constant 0 : index
    %get3A_11 = vector.load %arg1[%get3A_8, %get3A_9, %get3A_10] : memref<2x1000x128xf32, #tpu.memory_space<vmem>>, vector<1x1000x128xf32>
    %get3A_12 = vector.shape_cast %get3A_11 : vector<1x1000x128xf32> to vector<1000x128xf32>
    %get3A_13 = arith.constant 128 : index
    %get3A_14 = arith.constant 0 : index
    %get3A_15 = vector.load %arg3[%get3A_13, %get3A_14] : memref<256x1024xf32, #tpu.memory_space<vmem>>, vector<128x1024xf32>
    %dot_general3A_16 = arith.constant dense<0.000000e+00> : vector<1000x1024xf32>
    %dot_general3A_17 = tpu.matmul %get3A_12, %get3A_15, %dot_general3A_16 {dimension_numbers = #tpu.dot_dimension_numbers<[1], [0], [0], [1], [0, 0, 1, 1], [], []>, transpose_lhs_hint = false} : vector<1000x128xf32>, vector<128x1024xf32>, vector<1000x1024xf32> -> vector<1000x1024xf32>
    %add3A = arith.addf %dot_general3A_7, %dot_general3A_17 : vector<1000x1024xf32>
    %get3A_18 = arith.constant 0 : index
    %get3A_19 = arith.constant 0 : index
    %get3A_20 = arith.constant 0 : index
    %get3A_21 = vector.load %arg2[%get3A_18, %get3A_19, %get3A_20] : memref<2x1000x128xf32, #tpu.memory_space<vmem>>, vector<1x1000x128xf32>
    %get3A_22 = vector.shape_cast %get3A_21 : vector<1x1000x128xf32> to vector<1000x128xf32>
    %get3A_23 = arith.constant 0 : index
    %get3A_24 = arith.constant 0 : index
    %get3A_25 = vector.load %arg4[%get3A_23, %get3A_24] : memref<256x1024xf32, #tpu.memory_space<vmem>>, vector<128x1024xf32>
    %dot_general3A_26 = arith.constant dense<0.000000e+00> : vector<1000x1024xf32>
    %dot_general3A_27 = tpu.matmul %get3A_22, %get3A_25, %dot_general3A_26 {dimension_numbers = #tpu.dot_dimension_numbers<[1], [0], [0], [1], [0, 0, 1, 1], [], []>, transpose_lhs_hint = false} : vector<1000x128xf32>, vector<128x1024xf32>, vector<1000x1024xf32> -> vector<1000x1024xf32>
    %add3A_28 = arith.addf %add3A, %dot_general3A_27 : vector<1000x1024xf32>
    %get3A_29 = arith.constant 1 : index
    %get3A_30 = arith.constant 0 : index
    %get3A_31 = arith.constant 0 : index
    %get3A_32 = vector.load %arg2[%get3A_29, %get3A_30, %get3A_31] : memref<2x1000x128xf32, #tpu.memory_space<vmem>>, vector<1x1000x128xf32>
    %get3A_33 = vector.shape_cast %get3A_32 : vector<1x1000x128xf32> to vector<1000x128xf32>
    %get3A_34 = arith.constant 128 : index
    %get3A_35 = arith.constant 0 : index
    %get3A_36 = vector.load %arg4[%get3A_34, %get3A_35] : memref<256x1024xf32, #tpu.memory_space<vmem>>, vector<128x1024xf32>
    %dot_general3A_37 = arith.constant dense<0.000000e+00> : vector<1000x1024xf32>
    %dot_general3A_38 = tpu.matmul %get3A_33, %get3A_36, %dot_general3A_37 {dimension_numbers = #tpu.dot_dimension_numbers<[1], [0], [0], [1], [0, 0, 1, 1], [], []>, transpose_lhs_hint = false} : vector<1000x128xf32>, vector<128x1024xf32>, vector<1000x1024xf32> -> vector<1000x1024xf32>
    %add3A_39 = arith.addf %add3A_28, %dot_general3A_38 : vector<1000x1024xf32>
    %get3A_40 = arith.constant 0 : index
    %get3A_41 = arith.constant 0 : index
    %get3A_42 = vector.load %arg5[%get3A_40, %get3A_41] : memref<1x1024xf32, #tpu.memory_space<vmem>>, vector<1x1024xf32>
    %add3A_43 = vector.broadcast %get3A_42 : vector<1x1024xf32> to vector<1000x1024xf32>
    %add3A_44 = arith.addf %add3A_39, %add3A_43 : vector<1000x1024xf32>
    %max3A = arith.constant 0.000000e+00 : f32
    %max3A_45 = vector.broadcast %max3A : f32 to vector<1000x1024xf32>
    %max3A_46 = arith.maximumf %add3A_44, %max3A_45 : vector<1000x1024xf32>
    %get3A_47 = arith.constant 0 : index
    %get3A_48 = arith.constant 0 : index
    %get3A_49 = vector.load %arg6[%get3A_47, %get3A_48] : memref<1024x128xf32, #tpu.memory_space<vmem>>, vector<1024x128xf32>
    %dot_general3A_50 = arith.constant dense<0.000000e+00> : vector<1000x128xf32>
    %dot_general3A_51 = tpu.matmul %max3A_46, %get3A_49, %dot_general3A_50 {dimension_numbers = #tpu.dot_dimension_numbers<[1], [0], [0], [1], [0, 0, 1, 1], [], []>, transpose_lhs_hint = false} : vector<1000x1024xf32>, vector<1024x128xf32>, vector<1000x128xf32> -> vector<1000x128xf32>
    %get3A_52 = arith.constant 0 : index
    %get3A_53 = arith.constant 0 : index
    %get3A_54 = vector.load %arg7[%get3A_52, %get3A_53] : memref<1x128xf32, #tpu.memory_space<vmem>>, vector<1x128xf32>
    %add3A_55 = vector.broadcast %get3A_54 : vector<1x128xf32> to vector<1000x128xf32>
    %add3A_56 = arith.addf %dot_general3A_51, %add3A_55 : vector<1000x128xf32>
    %swap3A = arith.constant 0 : index
    %swap3A_57 = arith.constant 0 : index
    %swap3A_58 = vector.load %arg8[%swap3A, %swap3A_57] : memref<1000x128xf32, #tpu.memory_space<vmem>>, vector<1000x128xf32>
    tpu.vector_store %arg8[%swap3A, %swap3A_57], %add3A_56 {strides = array<i32>} : memref<1000x128xf32, #tpu.memory_space<vmem>>, vector<1000x128xf32>,
    return
  }
  func.func @transform_0(%arg0: i32) -> (i32, i32, i32) {
    %c0_i32 = arith.constant 0 : i32
    %c0_i32_0 = arith.constant 0 : i32
    %c0_i32_1 = arith.constant 0 : i32
    return %c0_i32, %arg0, %c0_i32_0 : i32, i32, i32
  }
  func.func @transform_1(%arg0: i32) -> (i32, i32, i32) {
    %c0_i32 = arith.constant 0 : i32
    %c0_i32_0 = arith.constant 0 : i32
    %c0_i32_1 = arith.constant 0 : i32
    return %c0_i32, %arg0, %c0_i32_0 : i32, i32, i32
  }
  func.func @transform_2(%arg0: i32) -> (i32, i32) {
    %c0_i32 = arith.constant 0 : i32
    %c0_i32_0 = arith.constant 0 : i32
    %c0_i32_1 = arith.constant 0 : i32
    return %c0_i32, %c0_i32_0 : i32, i32
  }
  func.func @transform_3(%arg0: i32) -> (i32, i32) {
    %c0_i32 = arith.constant 0 : i32
    %c0_i32_0 = arith.constant 0 : i32
    %c0_i32_1 = arith.constant 0 : i32
    return %c0_i32, %c0_i32_0 : i32, i32
  }
  func.func @transform_4(%arg0: i32) -> (i32, i32) {
    %c0_i32 = arith.constant 0 : i32
    %c0_i32_0 = arith.constant 0 : i32
    %c0_i32_1 = arith.constant 0 : i32
    return %c0_i32, %c0_i32_0 : i32, i32
  }
  func.func @transform_5(%arg0: i32) -> (i32, i32) {
    %c0_i32 = arith.constant 0 : i32
    %c0_i32_0 = arith.constant 0 : i32
    %c0_i32_1 = arith.constant 0 : i32
    return %c0_i32, %c0_i32_0 : i32, i32
  }
  func.func @transform_6(%arg0: i32) -> (i32, i32) {
    %c0_i32 = arith.constant 0 : i32
    %c0_i32_0 = arith.constant 0 : i32
    %c0_i32_1 = arith.constant 0 : i32
    return %c0_i32, %c0_i32_0 : i32, i32
  }
  func.func @transform_7(%arg0: i32) -> (i32, i32) {
    %c0_i32 = arith.constant 0 : i32
    %c0_i32_0 = arith.constant 0 : i32
    return %arg0, %c0_i32 : i32, i32
  }
}

</mosaic_0001>

<sc_bundles>
// kernel: kernel.6.cloned.1.call-start
scs
__scs_entry_jumppad:
0x0: {  	(pc) =	sbr.rel $0x88, $3  }
0x1: {  	(tag) =	ssettag $0x0;
	lr =	simm.s32 $0x1  }
0x2: {  	[smem:$0x3F95] =	sst lr;
	_ =	strace $0xD0000000  }
0x3: {  	_ = 	snop  }
0x4: {  	_ = 	snop  }
0x5: {  	_ = 	snop  }
0x6: {  	_ = 	snop  }
0x7: {  	_ = 	snop  }
__scs_overlays_trampoline_lowered:
0x8: {  	[smem:$0x3FA4] =	sst s0  }
0x9: {  	[smem:$0x3FA5] =	sst s1  }
0xa: {  	[smem:$0x3FA6] =	sst s2  }
0xb: {  	[smem:$0x3FA7] =	sst s3  }
0xc: {  	[smem:$0x3FA8] =	sst s4  }
0xd: {  	[smem:$0x3FA9] =	sst s5  }
0xe: {  	[smem:$0x3FAA] =	sst s6  }
0xf: {  	[smem:$0x3FAB] =	sst s7  }
0x10: {  	[smem:$0x3FAC] =	sst s8  }
0x11: {  	[smem:$0x3FAD] =	sst s9;
	s0 =	simm.s32 @!p0 $0x0  }
0x12: {  	s1 =	sld [smem:$0x3F93];
	s0 =	simm.s32 @p0 $0x1  }
0x13: {  	[smem:$0x3FAE] =	sst s0;
	s0 =	simm.s32 @!p1 $0x0  }
0x14: {  	s2 =	sld [smem:$0x3F92];
	s0 =	simm.s32 @p1 $0x1  }
0x15: {  	[smem:$0x3FAF] =	sst s0;
	s0 =	simm.s32 @!p2 $0x0  }
0x16: {  	s3 =	sld [smem:$0x3FDB];
	s0 =	simm.s32 @p2 $0x1  }
0x17: {  	s4 =	simm.s32 $0x1BF5;
	[smem:$0x3FB1] =	sst s0  }
0x18: {  	s0 =	sld [smem:$0x3F94];
	_ =	swait.ge [sflag:s4], $0x0  }
0x19: {  	s7 =	sld [smem:$0x3F95]  }
0x1a: {  	s8 =	sadd.s32 $0xFFFFE003, lr  }
0x1b: {  	s9 =	sadd.s32 $0xFFFFFEF7, lr;
	s5 =	simm.s32 $0xFFFFFFFF;
	p2 =	slt.u32 s8, $0xFFFFF086  }
0x1c: {  	p1 =	slt.u32 s9, $0xF7A;
	s5 =	simm.s32 @!p2 $0x0  }
0x1d: {  	s5 =	simm.s32 @p1 $0x1;
	p0 =	seq.s32 s7, s2  }
0x1e: {  	s7 =	smul.u32 @!p0 $0xF7A, s2;
	p2 =	seq.s32 @!p0 s5, $0x0  }
0x1f: {  	s9 =	smul.u32 $0xF7A, s1;
	s8 =	simm.s32 @!p0 $0x1BF5;
	p2 =	por !p2, p0  }
0x20: {  	[sflag:s8] =	ssyncset.s32 @!p0 $0xFFFFF086;
	s6 =	sadd.s32 @!p0 s3, s7;
	s7 =	simm.s32 @!p0 $0x108  }
0x21: {  	s3 =	sadd.s32 s3, s9;
	s6 =	sadd.s32 @!p0 $0x88, s6;
	s7 =	simm.s32 @p2 $0x1082  }
0x22: {  	[simem:s7], [sflag:s8] =	dma.local @!p0 [hbm:s6], $0xF7A  }
0x23: {  	s9 =	sor.u32 $0xD0000000, s2;
	s6 =	simm.s32 $0x108;
	_ =	swait.ge @!p0 [sflag:s8], $0x0  }
0x24: {  	s3 =	sadd.s32 $0x88, s3;
	s6 =	simm.s32 @!p1 $0x1082;
	[sflag:s4] =	ssyncset.s32 $0xFFFFF086  }
0x25: {  	[simem:s6], [sflag:s4] =	dma.local [hbm:s3], $0xF7A  }
0x26: {  	[smem:$0x3F95] =	sst s1;
	(tag) =	ssettag s2;
	_ =	strace s9  }
0x27: {  	s1 =	sld [smem:$0x3FA5]  }
0x28: {  	s2 =	sld [smem:$0x3FA6]  }
0x29: {  	s4 =	sld [smem:$0x3FA8]  }
0x2a: {  	p0 =	seq.s32 s5, $0x0;
	s5 =	sld [smem:$0x3FA9]  }
0x2b: {  	s6 =	sld [smem:$0x3FAA]  }
0x2c: {  	s7 =	sld [smem:$0x3FAB]  }
0x2d: {  	s3 =	simm.s32 $0x108;
	s8 =	sld [smem:$0x3FAC]  }
0x2e: {  	s3 =	simm.s32 @!p0 $0x1082;
	s9 =	sld [smem:$0x3FAD]  }
0x2f: {  	lr =	sadd.s32 s0, s3;
	s0 =	sld [smem:$0x3FA4]  }
0x30: {  	s3 =	sld [smem:$0x3FA7]  }
0x31: {  	[smem:$0x3FB0] =	sst s10  }
0x32: {  	s10 =	sld [smem:$0x3FAE];
	_ =	sdelay $0x3  }
0x33: {  	p0 =	seq.s32 s10, $0x1;
	s10 =	sld [smem:$0x3FB0];
	_ =	sdelay $0x3  }
0x34: {  	[smem:$0x3FB0] =	sst s10  }
0x35: {  	s10 =	sld [smem:$0x3FAF];
	_ =	sdelay $0x3  }
0x36: {  	p1 =	seq.s32 s10, $0x1;
	s10 =	sld [smem:$0x3FB0];
	_ =	sdelay $0x3  }
0x37: {  	[smem:$0x3FB0] =	sst s10  }
0x38: {  	s10 =	sld [smem:$0x3FB1]  }
0x39: {  	_ = 	snop;
	(pc) =	sbr.ind lr, $3  }
0x3a: {  	_ = 	snop  }
0x3b: {  	_ = 	snop  }
0x3c: {  	p2 =	seq.s32 s10, $0x1;
	s10 =	sld [smem:$0x3FB0]  }
0x3d: {  	_ =	shalt  }
0x3e: {  	_ =	shalt  }
0x3f: {  	_ =	shalt  }
0x40: {  	_ =	shalt  }
0x41: {  	_ =	shalt  }
0x42: {  	_ =	shalt  }
0x43: {  	_ =	shalt  }
0x44: {  	_ =	shalt  }
0x45: {  	_ =	shalt  }
0x46: {  	_ =	shalt  }
0x47: {  	_ =	shalt  }
0x48: {  	_ =	shalt  }
0x49: {  	_ =	shalt  }
0x4a: {  	_ =	shalt  }
0x4b: {  	_ =	shalt  }
0x4c: {  	_ =	shalt  }
0x4d: {  	_ =	shalt  }
0x4e: {  	_ =	shalt  }
0x4f: {  	_ =	shalt  }
0x50: {  	_ =	shalt  }
0x51: {  	_ =	shalt  }
0x52: {  	_ =	shalt  }
0x53: {  	_ =	shalt  }
0x54: {  	_ =	shalt  }
0x55: {  	_ =	shalt  }
0x56: {  	_ =	shalt  }
0x57: {  	_ =	shalt  }
0x58: {  	_ =	shalt  }
0x59: {  	_ =	shalt  }
0x5a: {  	_ =	shalt  }
0x5b: {  	_ =	shalt  }
0x5c: {  	_ =	shalt  }
0x5d: {  	_ =	shalt  }
0x5e: {  	_ =	shalt  }
0x5f: {  	_ =	shalt  }
0x60: {  	_ =	shalt  }
0x61: {  	_ =	shalt  }
0x62: {  	_ =	shalt  }
0x63: {  	_ =	shalt  }
0x64: {  	_ =	shalt  }
0x65: {  	_ =	shalt  }
0x66: {  	_ =	shalt  }
0x67: {  	_ =	shalt  }
0x68: {  	_ =	shalt  }
0x69: {  	_ =	shalt  }
0x6a: {  	_ =	shalt  }
0x6b: {  	_ =	shalt  }
0x6c: {  	_ =	shalt  }
0x6d: {  	_ =	shalt  }
0x6e: {  	_ =	shalt  }
0x6f: {  	_ =	shalt  }
0x70: {  	_ =	shalt  }
0x71: {  	_ =	shalt  }
0x72: {  	_ =	shalt  }
0x73: {  	_ =	shalt  }
0x74: {  	_ =	shalt  }
0x75: {  	_ =	shalt  }
0x76: {  	_ =	shalt  }
0x77: {  	_ =	shalt  }
0x78: {  	_ =	shalt  }
0x79: {  	_ =	shalt  }
0x7a: {  	_ =	shalt  }
0x7b: {  	_ =	shalt  }
0x7c: {  	_ =	shalt  }
0x7d: {  	_ =	shalt  }
0x7e: {  	_ =	shalt  }
0x7f: {  	_ =	shalt  }
0x80: {  	_ =	shalt  }
0x81: {  	_ =	shalt  }
0x82: {  	_ =	shalt  }
0x83: {  	_ =	shalt  }
0x84: {  	_ =	shalt  }
0x85: {  	_ =	shalt  }
0x86: {  	_ =	shalt  }
0x87: {  	_ =	shalt  }
.Lfunc_end0:
.L_simem_size_0:
called_computation_lowered:
.L_overlay_start_0:
0x88: {  	s2 =	sld [smem:$0x3FD9]  }
0x89: {  	s3 =	sld [smem:$0x3FFE];
	_ =	sdelay $0x1  }
0x8a: {  	s1 =	srdreg.scid  }
0x8b: {  	s0 =	sand.u32 $0x1, s1  }
0x8c: {  	s17 =	sshll.u32 s0, $0xA;
	s2 =	sadd.s32 s3, s2  }
0x8d: {  	s2 =	sadd.s32 s2, s17  }
0x8e: {  	[smem:$0x3FBC] =	sst s2  }
0x8f: {  	_ = 	snop  }
0x90: {  	s2 =	sld [smem:$0x3FC9];
	(tm) =	ssettm $0x1  }
0x91: {  	s18 =	sld [smem:$0x3FFB];
	_ =	sdelay $0x3  }
0x92: {  	_ =	strace s18  }
0x93: {  	s3 =	sld [smem:$0x3FFC];
	_ =	sdelay $0x3  }
0x94: {  	_ =	strace s3  }
0x95: {  	s3 =	sld [smem:$0x3FFD];
	_ =	sdelay $0x3  }
0x96: {  	_ =	strace s3  }
0x97: {  	_ =	strace $0x8FFFFFFF  }
0x98: {  	s19 =	sld [smem:$0x3FDB];
	_ =	sdelay $0x1  }
0x99: {  	s4 =	simm.s32 $_scs_section_size  }
0x9a: {  	s5 =	simm.s32 $_size__tile_overlayer_lowered;
	s6 =	simm.s32 $_tile_overlayer_lowered  }
0x9b: {  	s22 =	simm.s32 $0x1BFF;
	s21 =	sshll.u32 s6, $0x1;
	s3 =	sadd.s32 s4, s19  }
0x9c: {  	s7 =	simm.s32 $0x0;
	s20 =	sshll.u32 s5, $0x1;
	s5 =	sadd.s32 s21, s3  }
0x9d: {  	[timem:s7], [sflag:s22] =	dma.local [hbm:s5], s20  }
0x9e: {  	_ =	swait.ge [sflag:s22], s20  }
0x9f: {  	s4 =	ssub.s32 $0x0, s20;
	[sflag:s22] =	ssyncset.done $0x0  }
0xa0: {  	[sflag:s22] =	ssyncadd.s32 s4;
	_ =	sdelay $0x1  }
0xa1: {  	s23 =	simm.s32 $0x1B8B  }
0xa2: {  	_ =	swait.ge [sflag:s23], $0x1  }
0xa3: {  	[sflag:s23] =	ssyncset.done $0x0  }
0xa4: {  	s25 =	simm.s32 $0x1B8E;
	s24 =	sld [smem:$0x3FFE];
	[sflag:s23] =	ssyncadd.s32 $0xFFFFFFFF  }
0xa5: {  	s26 =	simm.s32 $execute0_lowered;
	[smem:$0x3FD2] =	sst s25  }
0xa6: {  	s5 =	sshll.u32 s26, $0x1;
	_ =	strace $0x80000046;
	[dreg:$0x1] =	wrdreg $0xFFFFFFFF  }
0xa7: {  	s28 =	simm.s32 $_size_execute0_lowered;
	s3 =	sadd.s32 s3, s5;
	[dreg:$0x0] =	wrdreg $0x0  }
0xa8: {  	s5 =	sshll.u32 s28, $0x1;
	[dreg:$0x2] =	wrdreg s3  }
0xa9: {  	[dreg:$0x3] =	wrdreg s5  }
0xaa: {  	[dreg:$0x4] =	wrdreg $0xC0  }
0xab: {  	_ =	task [dreg:s7], $0x5FFFF  }
0xac: {  	[dreg:$0x1] =	wrdreg $0xFFFFFFFF  }
0xad: {  	[dreg:$0x0] =	wrdreg $0x60  }
0xae: {  	[dreg:$0x2] =	wrdreg s2  }
0xaf: {  	[dreg:$0x3] =	wrdreg s24  }
0xb0: {  	[dreg:$0x4] =	wrdreg $0xB8000  }
0xb1: {  	[dreg:$0x5] =	wrdreg $0x9  }
0xb2: {  	_ =	task.clear_ibuf [dreg:s7], $0x6FFFF;
	_ =	strace $0x90000046  }
0xb3: {  	s29 =	simm.s32 $0x9;
	_ =	strace $0x80000048  }
0xb4: {  	_ =	swait.ge [sflag:s29], $0x1  }
0xb5: {  	[sflag:s29] =	ssyncadd.s32 $0xFFFFFFFF  }
0xb6: {  	_ =	strace $0x90000048  }
0xb7: {  	_ =	sfence  }
0xb8: {  	s30 =	sld [smem:$0x0];
	_ =	sdelay $0x2  }
0xb9: {  	s31 =	sshll.u32 s1, $0xD;
	s1 =	sshrl.u32 s1, $0x2  }
0xba: {  	s3 =	sand.u32 $0x4000, s31;
	s1 =	sadd.s32 s1, s30  }
0xbb: {  	s0 =	sor.u32 s3, s0;
	s1 =	sshll.u32 s1, $0x11  }
0xbc: {  	s0 =	sor.u32 s1, s0  }
0xbd: {  	s0 =	sadd.s32 $0x8F2B, s0  }
0xbe: {  	[sflag:s0] =	ssyncadd.remote.s32 $0x1  }
0xbf: {  	_ =	sfence.sel $0xFFFF  }
0xc0: {  	[dreg:$0x0] =	wrdreg $0xFFFFFFFF;
	(pc) =	sbr.abs _section_cstart, $3  }
0xc1: {  	[dreg:$0x1] =	wrdreg $0xFFFFFFFF  }
0xc2: {  	_ =	task.clear_ibuf [dreg:s7], $0x2FFFF;
	_ =	strace $0x9FFFFFFF  }
0xc3: {  	(tm) =	ssettm $0x7FFFFFFF  }
tec
execute0_lowered:
.L_overlay_start_1:
0x0: {  	(tag) =	ssettag $0x1  }
0x1: {  	s2 =	rddreg [dreg:$0x0]  }
0x2: {  	s0 =	srdreg.scid;
	s6 =	rddreg [dreg:$0x1]  }
0x3: {  	s3 =	rddreg [dreg:$0x2];
	s4 =	simm.s32 $0x0;
	s5 =	sand.u32 $0x1, s0  }
0x4: {  	s13 =	simm.s32 $0x2800;
	s0 =	stileid.u32;
	s8 =	smul.u32 $0x140000, s5  }
0x5: {  	s14 =	simm.s32 $0x5000;
	s17 =	simm.s32 $0x80;
	s9 =	smul.u32 $0xA000, s0  }
0x6: {  	s18 =	simm.s32 $0x7800;
	s19 =	simm.s32 $0x1;
	s10 =	smul.u32 $0x1480, s0  }
0x7: {  	s21 =	simm.s32 $0x0;
	[smem:$0x7FF] =	sst s4;
	s31 =	smul.u32 $0x29000, s0  }
0x8: {  	s1 =	sshll.u32 s5, $0x4;
	s5 =	ssub.s32 $0x2, s5;
	s12 =	smul.u32 $0x28000, s0  }
0x9: {  	s15 =	sshll.u32 s0, $0x6;
	s1 =	sor.u32 s0, s1;
	s30 =	sshrl.u32 s5, $0x1  }
0xa: {  	s15 =	sor.u32 $0x1C02, s15;
	s7 =	smul.u32 $0x500, s1;
	s1 =	rddreg [dreg:$0x3]  }
0xb: {  	_ =	strace $0x80000047;
	s8 =	sadd.s32 s9, s8;
	s28 =	sadd.s32 s10, s6  }
0xc: {  	s11 =	ssub.s32 s5, s30;
	s12 =	sshrl.u32 s12, $0x2;
	s8 =	sshrl.u32 s8, $0x3  }
0xd: {  	s20 =	sadd.s32 s12, s3;
	s11 =	smax.u32 s11, $0x1;
	s12 =	simm.s32 $0x2  }
0xe: {  	s7 =	sadd.s32 s7, s6;
	s29 =	sadd.s32 s8, s6;
	s8 =	sshrl.u32 s31, $0x2  }
0xf: {  	s20 =	sshrl.u32 s20, $0x3;
	s5 =	sadd.s32 $0x16E00, s7;
	s6 =	sadd.s32 $0xCE00, s7  }
0x10: {  	s7 =	sadd.s32 $0x2E00, s7;
	s16 =	sadd.s32 s8, s3;
	s8 =	sadd.s32 $0x20E00, s28  }
0x11: {  	s9 =	sadd.s32 $0x35600, s29;
	s10 =	sadd.s32 $0x49600, s29;
	s16 =	sshrl.u32 s16, $0x3  }
.LBB2_1:
0x12: {  	[tilespmem:s4], [sflag:$0x2] =	stream.linear.gather [hbm4b:s5+s4], $0x2800, $0x38;
	[tilespmem:$0x15C00] =	vst v63  }
0x13: {  	_ =	swait.ge [sflag:s12], $0x2800  }
0x14: {  	[sflag:s12] =	ssyncset.done $0x0  }
0x15: {  	[sflag:s12] =	ssyncadd.s32 $0xFFFFD800  }
0x16: {  	[tilespmem:s13], [sflag:$0x2] =	stream.linear.gather [hbm4b:s6+s4], $0x2800, $0x38;
	[tilespmem:$0x15C00] =	vst v63  }
0x17: {  	_ =	swait.ge [sflag:s12], $0x2800  }
0x18: {  	[sflag:s12] =	ssyncset.done $0x0  }
0x19: {  	[sflag:s12] =	ssyncadd.s32 $0xFFFFD800  }
0x1a: {  	[tilespmem:s14], [sflag:$0x2] =	stream.linear.gather [hbm4b:s7+s4], $0x2800, $0x38;
	[tilespmem:$0x15C00] =	vst v63  }
0x1b: {  	_ =	swait.ge [sflag:s12], $0x2800  }
0x1c: {  	[sflag:s12] =	ssyncset.done $0x0  }
0x1d: {  	[sflag:s12] =	ssyncadd.s32 $0xFFFFD800  }
0x1e: {  	[spmem:s16], [sflag:s15] =	dma.local [hbm:s8], $0x1480  }
0x1f: {  	_ =	swait.ge [sflag:s12], $0x1480  }
0x20: {  	[sflag:s12] =	ssyncset.done $0x0  }
0x21: {  	[sflag:s12] =	ssyncadd.s32 $0xFFFFEB80  }
0x22: {  	s22 =	simm.s32 $0x0;
	[bflag:$0x0] =	sbarrier.arrive $0xFFFF  }
0x23: {  	[tilespmem:s18], [sflag:$0x1] =	stream.indirect.gather [hbm4b:s2+s17], $0x80, s22, s17, $0xb8;
	[tilespmem:$0x15C00] =	vst v63  }
0x24: {  	_ =	swait.ge [sflag:s19], $0x4000  }
0x25: {  	[sflag:s19] =	ssyncset.done $0x0  }
0x26: {  	s31 =	simm.s32 $0x2800;
	[sflag:s19] =	ssyncadd.s32 $0xFFFFC000  }
0x27: {  	[spmem:s3] =	stream.indirect.scatter.add.f32 [tilespmem:s18], [sflag:$0x2], $0x80, s31, s17, $0xb8;
	[tilespmem:$0x15C00] =	vst v63  }
0x28: {  	_ =	swait.ge [sflag:s12], $0x4000  }
0x29: {  	s23 =	simm.s32 $0x400;
	s22 =	simm.s32 $0x200;
	[sflag:s12] =	ssyncset.done $0x0  }
.LBB2_2:
0x2a: {  	s24 =	sshra.s32 s22, $0x2  }
0x2b: {  	[sflag:s12] =	ssyncadd.s32 $0xFFFFC000;
	s22 =	smov.u32 s23;
	s25 =	sadd.s32 $0x200, s23  }
0x2c: {  	[tilespmem:s18], [sflag:$0x1] =	stream.indirect.gather [hbm4b:s2+s17], $0x80, s24, s17, $0xb8;
	[tilespmem:$0x15C00] =	vst v63  }
0x2d: {  	p0 =	sne.s32 s23, $0x9E00;
	_ =	swait.ge [sflag:s19], $0x4000  }
.Ltmp0:
0x2e: {  	[sflag:s19] =	ssyncset.done $0x0;
	(pc) =	sbr.rel @p0 .LBB2_2-.Ltmp0, $4  }
0x2f: {  	s23 =	sadd.s32 $0x2800, s24;
	[sflag:s19] =	ssyncadd.s32 $0xFFFFC000  }
0x30: {  	[spmem:s3] =	stream.indirect.scatter.add.f32 [tilespmem:s18], [sflag:$0x2], $0x80, s23, s17, $0xb8;
	[tilespmem:$0x15C00] =	vst v63  }
0x31: {  	_ =	swait.ge [sflag:s12], $0x4000  }
0x32: {  	s23 =	smov.u32 s25;
	[sflag:s12] =	ssyncset.done $0x0  }
0x33: {  	s22 =	sshra.s32 s22, $0x2;
	[sflag:s12] =	ssyncadd.s32 $0xFFFFC000  }
0x34: {  	[tilespmem:s18], [sflag:$0x1] =	stream.indirect.gather [hbm4b:s2+s17], $0x80, s22, s17, $0xb8;
	[tilespmem:$0x15C00] =	vst v63  }
0x35: {  	_ =	swait.ge [sflag:s19], $0x4000  }
0x36: {  	[sflag:s19] =	ssyncset.done $0x0  }
0x37: {  	s22 =	sadd.s32 $0x2800, s22;
	[sflag:s19] =	ssyncadd.s32 $0xFFFFC000  }
0x38: {  	[spmem:s3] =	stream.indirect.scatter.add.f32 [tilespmem:s18], [sflag:$0x2], $0x80, s22, s17, $0xb8;
	[tilespmem:$0x15C00] =	vst v63  }
0x39: {  	_ =	swait.ge [sflag:s12], $0x4000  }
0x3a: {  	[sflag:s12] =	ssyncset.done $0x0  }
0x3b: {  	[sflag:s12] =	ssyncadd.s32 $0xFFFFC000  }
0x3c: {  	[bflag:$0x0] =	sbarrier.arrive $0xFFFF  }
0x3d: {  	[hbm:s9], [sflag:s15] =	dma.local [spmem:s20], $0x1400  }
0x3e: {  	_ =	swait.ge [sflag:s12], $0x1400  }
0x3f: {  	[sflag:s12] =	ssyncset.done $0x0  }
0x40: {  	[sflag:s12] =	ssyncadd.s32 $0xFFFFEC00  }
0x41: {  	[bflag:$0x0] =	sbarrier.arrive $0xFFFF  }
0x42: {  	[spmem:s16], [sflag:s15] =	dma.local [hbm:s8], $0x1480  }
0x43: {  	_ =	swait.ge [sflag:s12], $0x1480  }
0x44: {  	[sflag:s12] =	ssyncset.done $0x0  }
0x45: {  	[sflag:s12] =	ssyncadd.s32 $0xFFFFEB80  }
0x46: {  	s30 =	simm.s32 $0x0;
	[bflag:$0x0] =	sbarrier.arrive $0xFFFF  }
0x47: {  	[tilespmem:s18], [sflag:$0x1] =	stream.indirect.gather [hbm4b:s2+s17], $0x80, s30, s17, $0xb8;
	[tilespmem:$0x15C00] =	vst v63  }
0x48: {  	_ =	swait.ge [sflag:s19], $0x4000  }
0x49: {  	[sflag:s19] =	ssyncset.done $0x0  }
0x4a: {  	s31 =	simm.s32 $0x5000;
	[sflag:s19] =	ssyncadd.s32 $0xFFFFC000  }
0x4b: {  	[spmem:s3] =	stream.indirect.scatter.add.f32 [tilespmem:s18], [sflag:$0x2], $0x80, s31, s17, $0xb8;
	[tilespmem:$0x15C00] =	vst v63  }
0x4c: {  	_ =	swait.ge [sflag:s12], $0x4000  }
0x4d: {  	s23 =	simm.s32 $0x400;
	s22 =	simm.s32 $0x200;
	[sflag:s12] =	ssyncset.done $0x0  }
.LBB2_4:
0x4e: {  	s24 =	sshra.s32 s22, $0x2  }
0x4f: {  	[sflag:s12] =	ssyncadd.s32 $0xFFFFC000;
	s22 =	smov.u32 s23;
	s25 =	sadd.s32 $0x200, s23  }
0x50: {  	[tilespmem:s18], [sflag:$0x1] =	stream.indirect.gather [hbm4b:s2+s17], $0x80, s24, s17, $0xb8;
	[tilespmem:$0x15C00] =	vst v63  }
0x51: {  	p0 =	sne.s32 s23, $0x9E00;
	_ =	swait.ge [sflag:s19], $0x4000  }
.Ltmp1:
0x52: {  	[sflag:s19] =	ssyncset.done $0x0;
	(pc) =	sbr.rel @p0 .LBB2_4-.Ltmp1, $4  }
0x53: {  	s23 =	sadd.s32 $0x5000, s24;
	[sflag:s19] =	ssyncadd.s32 $0xFFFFC000  }
0x54: {  	[spmem:s3] =	stream.indirect.scatter.add.f32 [tilespmem:s18], [sflag:$0x2], $0x80, s23, s17, $0xb8;
	[tilespmem:$0x15C00] =	vst v63  }
0x55: {  	_ =	swait.ge [sflag:s12], $0x4000  }
0x56: {  	s23 =	smov.u32 s25;
	[sflag:s12] =	ssyncset.done $0x0  }
0x57: {  	s22 =	sshra.s32 s22, $0x2;
	[sflag:s12] =	ssyncadd.s32 $0xFFFFC000  }
0x58: {  	[tilespmem:s18], [sflag:$0x1] =	stream.indirect.gather [hbm4b:s2+s17], $0x80, s22, s17, $0xb8;
	[tilespmem:$0x15C00] =	vst v63  }
0x59: {  	_ =	swait.ge [sflag:s19], $0x4000  }
0x5a: {  	[sflag:s19] =	ssyncset.done $0x0  }
0x5b: {  	s22 =	sadd.s32 $0x5000, s22;
	[sflag:s19] =	ssyncadd.s32 $0xFFFFC000  }
0x5c: {  	[spmem:s3] =	stream.indirect.scatter.add.f32 [tilespmem:s18], [sflag:$0x2], $0x80, s22, s17, $0xb8;
	[tilespmem:$0x15C00] =	vst v63  }
0x5d: {  	_ =	swait.ge [sflag:s12], $0x4000  }
0x5e: {  	[sflag:s12] =	ssyncset.done $0x0  }
0x5f: {  	s21 =	sadd.s32 $0x1, s21;
	[sflag:s12] =	ssyncadd.s32 $0xFFFFC000  }
0x60: {  	p0 =	sne.s32 s21, s11;
	[bflag:$0x0] =	sbarrier.arrive $0xFFFF  }
0x61: {  	[hbm:s10], [sflag:s15] =	dma.local [spmem:s20], $0x1400  }
.Ltmp2:
0x62: {  	_ =	swait.ge [sflag:s12], $0x1400;
	(pc) =	sbr.rel @p0 .LBB2_1-.Ltmp2, $3  }
0x63: {  	[sflag:s12] =	ssyncset.done $0x0  }
0x64: {  	[sflag:s12] =	ssyncadd.s32 $0xFFFFEC00  }
0x65: {  	[bflag:$0x0] =	sbarrier.arrive $0xFFFF;
	_ =	sdelay $0x1  }
0x66: {  	_ =	sfence.sel $0x180000  }
0x67: {  	[bflag:$0x0] =	sbarrier.arrive $0xFFFF  }
0x68: {  	p0 =	sne.s32 s0, $0x0;
	_ =	strace $0x90000047  }
0x69: {  	s0 =	sadd.s32 @!p0 $0x100000, s1;
	[bflag:$0x2] =	sbarrier.arrive $0xFFFF  }
0x6a: {  	[sflag:s0] =	ssyncadd.tile.s32 @!p0 $0x1;
	_ =	shalt  }
.Lfunc_end2:
_tile_overlayer_lowered:
.L_overlay_start_2:
0x6b: {  	(tag) =	ssettag $0x2  }
0x6c: {  	s0 =	rddreg [dreg:$0x0];
	s2 =	stileid.u32  }
0x6d: {  	s1 =	rddreg [dreg:$0x1];
	p0 =	sne.s32 s2, $0x0  }
0x6e: {  	s3 =	rddreg [dreg:$0x2];
	[bflag:$0x3] =	sbarrier.arrive $0xFFFF;
	s2 =	simm.s32 @!p0 $0x1C02  }
0x6f: {  	[timem:s3], [sflag:s2] =	dma.local @!p0 [hbm:s0], s1  }
0x70: {  	s0 =	simm.s32 @!p0 $0x2  }
0x71: {  	_ =	swait.ge @!p0 [sflag:s0], s1  }
0x72: {  	s1 =	ssub.s32 @!p0 $0x0, s1;
	[sflag:s0] =	ssyncset.done @!p0 $0x0  }
0x73: {  	[sflag:s0] =	ssyncadd.s32 @!p0 s1  }
0x74: {  	[bflag:$0x3] =	sbarrier.arrive $0xFFFF  }
0x75: {  	_ =	shalt  }

// kernel: kernel.9.cloned.1.call-start
scs
__scs_entry_jumppad:
0x0: {  	(pc) =	sbr.rel $0x88, $3  }
0x1: {  	(tag) =	ssettag $0x0;
	lr =	simm.s32 $0x1  }
0x2: {  	[smem:$0x3F95] =	sst lr;
	_ =	strace $0xD0000000  }
0x3: {  	_ = 	snop  }
0x4: {  	_ = 	snop  }
0x5: {  	_ = 	snop  }
0x6: {  	_ = 	snop  }
0x7: {  	_ = 	snop  }
__scs_overlays_trampoline_lowered:
0x8: {  	[smem:$0x3FA4] =	sst s0  }
0x9: {  	[smem:$0x3FA5] =	sst s1  }
0xa: {  	[smem:$0x3FA6] =	sst s2  }
0xb: {  	[smem:$0x3FA7] =	sst s3  }
0xc: {  	[smem:$0x3FA8] =	sst s4  }
0xd: {  	[smem:$0x3FA9] =	sst s5  }
0xe: {  	[smem:$0x3FAA] =	sst s6  }
0xf: {  	[smem:$0x3FAB] =	sst s7  }
0x10: {  	[smem:$0x3FAC] =	sst s8  }
0x11: {  	[smem:$0x3FAD] =	sst s9;
	s0 =	simm.s32 @!p0 $0x0  }
0x12: {  	s1 =	sld [smem:$0x3F93];
	s0 =	simm.s32 @p0 $0x1  }
0x13: {  	[smem:$0x3FAE] =	sst s0;
	s0 =	simm.s32 @!p1 $0x0  }
0x14: {  	s2 =	sld [smem:$0x3F92];
	s0 =	simm.s32 @p1 $0x1  }
0x15: {  	[smem:$0x3FAF] =	sst s0;
	s0 =	simm.s32 @!p2 $0x0  }
0x16: {  	s3 =	sld [smem:$0x3FDB];
	s0 =	simm.s32 @p2 $0x1  }
0x17: {  	s4 =	simm.s32 $0x1BF5;
	[smem:$0x3FB1] =	sst s0  }
0x18: {  	s0 =	sld [smem:$0x3F94];
	_ =	swait.ge [sflag:s4], $0x0  }
0x19: {  	s7 =	sld [smem:$0x3F95]  }
0x1a: {  	s8 =	sadd.s32 $0xFFFFE003, lr  }
0x1b: {  	s9 =	sadd.s32 $0xFFFFFEF7, lr;
	s5 =	simm.s32 $0xFFFFFFFF;
	p2 =	slt.u32 s8, $0xFFFFF086  }
0x1c: {  	p1 =	slt.u32 s9, $0xF7A;
	s5 =	simm.s32 @!p2 $0x0  }
0x1d: {  	s5 =	simm.s32 @p1 $0x1;
	p0 =	seq.s32 s7, s2  }
0x1e: {  	s7 =	smul.u32 @!p0 $0xF7A, s2;
	p2 =	seq.s32 @!p0 s5, $0x0  }
0x1f: {  	s9 =	smul.u32 $0xF7A, s1;
	s8 =	simm.s32 @!p0 $0x1BF5;
	p2 =	por !p2, p0  }
0x20: {  	[sflag:s8] =	ssyncset.s32 @!p0 $0xFFFFF086;
	s6 =	sadd.s32 @!p0 s3, s7;
	s7 =	simm.s32 @!p0 $0x108  }
0x21: {  	s3 =	sadd.s32 s3, s9;
	s6 =	sadd.s32 @!p0 $0x88, s6;
	s7 =	simm.s32 @p2 $0x1082  }
0x22: {  	[simem:s7], [sflag:s8] =	dma.local @!p0 [hbm:s6], $0xF7A  }
0x23: {  	s9 =	sor.u32 $0xD0000000, s2;
	s6 =	simm.s32 $0x108;
	_ =	swait.ge @!p0 [sflag:s8], $0x0  }
0x24: {  	s3 =	sadd.s32 $0x88, s3;
	s6 =	simm.s32 @!p1 $0x1082;
	[sflag:s4] =	ssyncset.s32 $0xFFFFF086  }
0x25: {  	[simem:s6], [sflag:s4] =	dma.local [hbm:s3], $0xF7A  }
0x26: {  	[smem:$0x3F95] =	sst s1;
	(tag) =	ssettag s2;
	_ =	strace s9  }
0x27: {  	s1 =	sld [smem:$0x3FA5]  }
0x28: {  	s2 =	sld [smem:$0x3FA6]  }
0x29: {  	s4 =	sld [smem:$0x3FA8]  }
0x2a: {  	p0 =	seq.s32 s5, $0x0;
	s5 =	sld [smem:$0x3FA9]  }
0x2b: {  	s6 =	sld [smem:$0x3FAA]  }
0x2c: {  	s7 =	sld [smem:$0x3FAB]  }
0x2d: {  	s3 =	simm.s32 $0x108;
	s8 =	sld [smem:$0x3FAC]  }
0x2e: {  	s3 =	simm.s32 @!p0 $0x1082;
	s9 =	sld [smem:$0x3FAD]  }
0x2f: {  	lr =	sadd.s32 s0, s3;
	s0 =	sld [smem:$0x3FA4]  }
0x30: {  	s3 =	sld [smem:$0x3FA7]  }
0x31: {  	[smem:$0x3FB0] =	sst s10  }
0x32: {  	s10 =	sld [smem:$0x3FAE];
	_ =	sdelay $0x3  }
0x33: {  	p0 =	seq.s32 s10, $0x1;
	s10 =	sld [smem:$0x3FB0];
	_ =	sdelay $0x3  }
0x34: {  	[smem:$0x3FB0] =	sst s10  }
0x35: {  	s10 =	sld [smem:$0x3FAF];
	_ =	sdelay $0x3  }
0x36: {  	p1 =	seq.s32 s10, $0x1;
	s10 =	sld [smem:$0x3FB0];
	_ =	sdelay $0x3  }
0x37: {  	[smem:$0x3FB0] =	sst s10  }
0x38: {  	s10 =	sld [smem:$0x3FB1]  }
0x39: {  	_ = 	snop;
	(pc) =	sbr.ind lr, $3  }
0x3a: {  	_ = 	snop  }
0x3b: {  	_ = 	snop  }
0x3c: {  	p2 =	seq.s32 s10, $0x1;
	s10 =	sld [smem:$0x3FB0]  }
0x3d: {  	_ =	shalt  }
0x3e: {  	_ =	shalt  }
0x3f: {  	_ =	shalt  }
0x40: {  	_ =	shalt  }
0x41: {  	_ =	shalt  }
0x42: {  	_ =	shalt  }
0x43: {  	_ =	shalt  }
0x44: {  	_ =	shalt  }
0x45: {  	_ =	shalt  }
0x46: {  	_ =	shalt  }
0x47: {  	_ =	shalt  }
0x48: {  	_ =	shalt  }
0x49: {  	_ =	shalt  }
0x4a: {  	_ =	shalt  }
0x4b: {  	_ =	shalt  }
0x4c: {  	_ =	shalt  }
0x4d: {  	_ =	shalt  }
0x4e: {  	_ =	shalt  }
0x4f: {  	_ =	shalt  }
0x50: {  	_ =	shalt  }
0x51: {  	_ =	shalt  }
0x52: {  	_ =	shalt  }
0x53: {  	_ =	shalt  }
0x54: {  	_ =	shalt  }
0x55: {  	_ =	shalt  }
0x56: {  	_ =	shalt  }
0x57: {  	_ =	shalt  }
0x58: {  	_ =	shalt  }
0x59: {  	_ =	shalt  }
0x5a: {  	_ =	shalt  }
0x5b: {  	_ =	shalt  }
0x5c: {  	_ =	shalt  }
0x5d: {  	_ =	shalt  }
0x5e: {  	_ =	shalt  }
0x5f: {  	_ =	shalt  }
0x60: {  	_ =	shalt  }
0x61: {  	_ =	shalt  }
0x62: {  	_ =	shalt  }
0x63: {  	_ =	shalt  }
0x64: {  	_ =	shalt  }
0x65: {  	_ =	shalt  }
0x66: {  	_ =	shalt  }
0x67: {  	_ =	shalt  }
0x68: {  	_ =	shalt  }
0x69: {  	_ =	shalt  }
0x6a: {  	_ =	shalt  }
0x6b: {  	_ =	shalt  }
0x6c: {  	_ =	shalt  }
0x6d: {  	_ =	shalt  }
0x6e: {  	_ =	shalt  }
0x6f: {  	_ =	shalt  }
0x70: {  	_ =	shalt  }
0x71: {  	_ =	shalt  }
0x72: {  	_ =	shalt  }
0x73: {  	_ =	shalt  }
0x74: {  	_ =	shalt  }
0x75: {  	_ =	shalt  }
0x76: {  	_ =	shalt  }
0x77: {  	_ =	shalt  }
0x78: {  	_ =	shalt  }
0x79: {  	_ =	shalt  }
0x7a: {  	_ =	shalt  }
0x7b: {  	_ =	shalt  }
0x7c: {  	_ =	shalt  }
0x7d: {  	_ =	shalt  }
0x7e: {  	_ =	shalt  }
0x7f: {  	_ =	shalt  }
0x80: {  	_ =	shalt  }
0x81: {  	_ =	shalt  }
0x82: {  	_ =	shalt  }
0x83: {  	_ =	shalt  }
0x84: {  	_ =	shalt  }
0x85: {  	_ =	shalt  }
0x86: {  	_ =	shalt  }
0x87: {  	_ =	shalt  }
.Lfunc_end0:
.L_simem_size_0:
called_computation.1_lowered:
.L_overlay_start_0:
0x88: {  	s2 =	sld [smem:$0x3FD9]  }
0x89: {  	s3 =	sld [smem:$0x3FFE];
	_ =	sdelay $0x1  }
0x8a: {  	s1 =	srdreg.scid  }
0x8b: {  	s0 =	sand.u32 $0x1, s1  }
0x8c: {  	s16 =	sshll.u32 s0, $0xA;
	s2 =	sadd.s32 s3, s2  }
0x8d: {  	s2 =	sadd.s32 s2, s16  }
0x8e: {  	[smem:$0x3FBC] =	sst s2  }
0x8f: {  	_ = 	snop  }
0x90: {  	(tm) =	ssettm $0x1  }
0x91: {  	s17 =	sld [smem:$0x3FFB];
	_ =	sdelay $0x3  }
0x92: {  	_ =	strace s17  }
0x93: {  	s2 =	sld [smem:$0x3FFC];
	_ =	sdelay $0x3  }
0x94: {  	_ =	strace s2  }
0x95: {  	s2 =	sld [smem:$0x3FFD];
	_ =	sdelay $0x3  }
0x96: {  	_ =	strace s2  }
0x97: {  	_ =	strace $0x8FFFFFFF  }
0x98: {  	s18 =	sld [smem:$0x3FDB];
	_ =	sdelay $0x1  }
0x99: {  	s19 =	simm.s32 $_scs_section_size  }
0x9a: {  	s4 =	simm.s32 $_size__tile_overlayer_lowered;
	s5 =	simm.s32 $_tile_overlayer_lowered  }
0x9b: {  	s22 =	simm.s32 $0x1BFF;
	s21 =	sshll.u32 s5, $0x1;
	s2 =	sadd.s32 s19, s18  }
0x9c: {  	s6 =	simm.s32 $0x0;
	s20 =	sshll.u32 s4, $0x1;
	s4 =	sadd.s32 s21, s2  }
0x9d: {  	[timem:s6], [sflag:s22] =	dma.local [hbm:s4], s20  }
0x9e: {  	_ =	swait.ge [sflag:s22], s20  }
0x9f: {  	s3 =	ssub.s32 $0x0, s20;
	[sflag:s22] =	ssyncset.done $0x0  }
0xa0: {  	[sflag:s22] =	ssyncadd.s32 s3;
	_ =	sdelay $0x1  }
0xa1: {  	s23 =	simm.s32 $0x1B8B  }
0xa2: {  	_ =	swait.ge [sflag:s23], $0x1  }
0xa3: {  	[sflag:s23] =	ssyncset.done $0x0  }
0xa4: {  	s25 =	simm.s32 $0x1B8E;
	s24 =	sld [smem:$0x3FFE];
	[sflag:s23] =	ssyncadd.s32 $0xFFFFFFFF  }
0xa5: {  	s26 =	simm.s32 $execute0_lowered;
	[smem:$0x3FD2] =	sst s25  }
0xa6: {  	s4 =	sshll.u32 s26, $0x1;
	_ =	strace $0x80000049;
	[dreg:$0x1] =	wrdreg $0xFFFFFFFF  }
0xa7: {  	s28 =	simm.s32 $_size_execute0_lowered;
	s2 =	sadd.s32 s2, s4;
	[dreg:$0x0] =	wrdreg $0x0  }
0xa8: {  	s4 =	sshll.u32 s28, $0x1;
	[dreg:$0x2] =	wrdreg s2  }
0xa9: {  	[dreg:$0x3] =	wrdreg s4  }
0xaa: {  	[dreg:$0x4] =	wrdreg $0xC0  }
0xab: {  	_ =	task [dreg:s6], $0x5FFFF  }
0xac: {  	[dreg:$0x1] =	wrdreg $0xFFFFFFFF  }
0xad: {  	[dreg:$0x0] =	wrdreg $0x60  }
0xae: {  	[dreg:$0x2] =	wrdreg s24  }
0xaf: {  	[dreg:$0x3] =	wrdreg $0x130000  }
0xb0: {  	[dreg:$0x4] =	wrdreg $0x9  }
0xb1: {  	_ =	task.clear_ibuf [dreg:s6], $0x5FFFF;
	_ =	strace $0x90000049  }
0xb2: {  	s29 =	simm.s32 $0x9;
	_ =	strace $0x8000004B  }
0xb3: {  	_ =	swait.ge [sflag:s29], $0x1  }
0xb4: {  	[sflag:s29] =	ssyncadd.s32 $0xFFFFFFFF  }
0xb5: {  	_ =	strace $0x9000004B  }
0xb6: {  	_ =	sfence  }
0xb7: {  	s30 =	sld [smem:$0x0];
	_ =	sdelay $0x2  }
0xb8: {  	s31 =	sshll.u32 s1, $0xD;
	s1 =	sshrl.u32 s1, $0x2  }
0xb9: {  	s3 =	sand.u32 $0x4000, s31;
	s1 =	sadd.s32 s1, s30  }
0xba: {  	s0 =	sor.u32 s3, s0;
	s1 =	sshll.u32 s1, $0x11  }
0xbb: {  	s0 =	sor.u32 s1, s0  }
0xbc: {  	s0 =	sadd.s32 $0x8F2B, s0  }
0xbd: {  	[sflag:s0] =	ssyncadd.remote.s32 $0x1  }
0xbe: {  	_ =	sfence.sel $0xFFFF  }
0xbf: {  	[dreg:$0x0] =	wrdreg $0xFFFFFFFF;
	(pc) =	sbr.abs _section_cstart, $3  }
0xc0: {  	[dreg:$0x1] =	wrdreg $0xFFFFFFFF  }
0xc1: {  	_ =	task.clear_ibuf [dreg:s6], $0x2FFFF;
	_ =	strace $0x9FFFFFFF  }
0xc2: {  	(tm) =	ssettm $0x7FFFFFFF  }
0xc3: {  	_ =	shalt  }
tec
execute0_lowered:
.L_overlay_start_1:
0x0: {  	(tag) =	ssettag $0x1  }
0x1: {  	s5 =	rddreg [dreg:$0x0]  }
0x2: {  	s2 =	rddreg [dreg:$0x1]  }
0x3: {  	s0 =	rddreg [dreg:$0x2];
	s1 =	stileid.u32  }
0x4: {  	s4 =	srdreg.scid;
	s7 =	smul.u32 $0x5000, s1  }
0x5: {  	s3 =	simm.s32 $0x0;
	s14 =	simm.s32 $0xA000;
	s10 =	smul.u32 $0xA000, s1  }
0x6: {  	s17 =	simm.s32 $0x80;
	s18 =	simm.s32 $0xF000;
	s11 =	smul.u32 $0x1480, s1  }
0x7: {  	s19 =	simm.s32 $0x1;
	s21 =	simm.s32 $0x0;
	s29 =	smul.u32 $0x29000, s1  }
0x8: {  	s6 =	sand.u32 $0x1, s4;
	[smem:$0x7FF] =	sst s3;
	s13 =	smul.u32 $0x28000, s1  }
0x9: {  	s4 =	sadd.s32 $0x35600, s5;
	s15 =	sshll.u32 s1, $0x6;
	s8 =	smul.u32 $0x50000, s6  }
0xa: {  	_ =	strace $0x8000004A;
	s9 =	smul.u32 $0x140000, s6;
	s6 =	ssub.s32 $0x2, s6  }
0xb: {  	s15 =	sor.u32 $0x1C02, s15;
	s25 =	sadd.s32 s11, s5;
	s28 =	sshrl.u32 s6, $0x1  }
0xc: {  	s30 =	sshrl.u32 s29, $0x2;
	s31 =	sshrl.u32 s13, $0x2;
	s13 =	simm.s32 $0x5000  }
0xd: {  	s8 =	sadd.s32 s7, s8;
	s7 =	sshrl.u32 s7, $0x3;
	s9 =	sadd.s32 s10, s9  }
0xe: {  	s12 =	ssub.s32 s6, s28;
	s16 =	sadd.s32 s30, s2;
	s20 =	sadd.s32 s31, s2  }
0xf: {  	s8 =	sshrl.u32 s8, $0x3;
	s7 =	sadd.s32 s7, s5;
	s9 =	sshrl.u32 s9, $0x3  }
0x10: {  	s11 =	smax.u32 s12, $0x1;
	s12 =	simm.s32 $0x2;
	s16 =	sshrl.u32 s16, $0x3  }
0x11: {  	s20 =	sshrl.u32 s20, $0x3;
	s8 =	sadd.s32 s8, s5;
	s26 =	sadd.s32 s9, s5  }
0x12: {  	s6 =	sadd.s32 $0xCE00, s7;
	s7 =	sadd.s32 $0x2E00, s7;
	s5 =	sadd.s32 $0x85600, s8  }
0x13: {  	s8 =	sadd.s32 $0x20E00, s25;
	s9 =	sadd.s32 $0x99600, s26;
	s10 =	sadd.s32 $0xAD600, s26  }
.LBB2_1:
0x14: {  	[tilespmem:s3], [sflag:$0x2] =	stream.linear.gather [hbm4b:s5+s3], $0x5000, $0x38;
	[tilespmem:$0x1D400] =	vst v63  }
0x15: {  	_ =	swait.ge [sflag:s12], $0x5000  }
0x16: {  	[sflag:s12] =	ssyncset.done $0x0  }
0x17: {  	[sflag:s12] =	ssyncadd.s32 $0xFFFFB000  }
0x18: {  	[tilespmem:s13], [sflag:$0x2] =	stream.linear.gather [hbm4b:s6+s3], $0x5000, $0x38;
	[tilespmem:$0x1D400] =	vst v63  }
0x19: {  	_ =	swait.ge [sflag:s12], $0x5000  }
0x1a: {  	[sflag:s12] =	ssyncset.done $0x0  }
0x1b: {  	[sflag:s12] =	ssyncadd.s32 $0xFFFFB000  }
0x1c: {  	[tilespmem:s14], [sflag:$0x2] =	stream.linear.gather [hbm4b:s7+s3], $0x5000, $0x38;
	[tilespmem:$0x1D400] =	vst v63  }
0x1d: {  	_ =	swait.ge [sflag:s12], $0x5000  }
0x1e: {  	[sflag:s12] =	ssyncset.done $0x0  }
0x1f: {  	[sflag:s12] =	ssyncadd.s32 $0xFFFFB000  }
0x20: {  	[spmem:s16], [sflag:s15] =	dma.local [hbm:s8], $0x1480  }
0x21: {  	_ =	swait.ge [sflag:s12], $0x1480  }
0x22: {  	[sflag:s12] =	ssyncset.done $0x0  }
0x23: {  	[sflag:s12] =	ssyncadd.s32 $0xFFFFEB80  }
0x24: {  	s22 =	simm.s32 $0x0;
	[bflag:$0x0] =	sbarrier.arrive $0xFFFF  }
0x25: {  	[tilespmem:s18], [sflag:$0x1] =	stream.indirect.gather [hbm4b:s4+s17], $0x80, s22, s17, $0xb8;
	[tilespmem:$0x1D400] =	vst v63  }
0x26: {  	_ =	swait.ge [sflag:s19], $0x4000  }
0x27: {  	[sflag:s19] =	ssyncset.done $0x0  }
0x28: {  	s31 =	simm.s32 $0x5000;
	[sflag:s19] =	ssyncadd.s32 $0xFFFFC000  }
0x29: {  	[spmem:s2] =	stream.indirect.scatter.add.f32 [tilespmem:s18], [sflag:$0x2], $0x80, s31, s17, $0xb8;
	[tilespmem:$0x1D400] =	vst v63  }
0x2a: {  	_ =	swait.ge [sflag:s12], $0x4000  }
0x2b: {  	s23 =	simm.s32 $0x400;
	s22 =	simm.s32 $0x200;
	[sflag:s12] =	ssyncset.done $0x0  }
.LBB2_2:
0x2c: {  	s24 =	sshra.s32 s22, $0x2  }
0x2d: {  	[sflag:s12] =	ssyncadd.s32 $0xFFFFC000;
	s22 =	smov.u32 s23;
	s25 =	sadd.s32 $0x200, s23  }
0x2e: {  	[tilespmem:s18], [sflag:$0x1] =	stream.indirect.gather [hbm4b:s4+s17], $0x80, s24, s17, $0xb8;
	[tilespmem:$0x1D400] =	vst v63  }
0x2f: {  	p0 =	sne.s32 s23, $0x13E00;
	_ =	swait.ge [sflag:s19], $0x4000  }
.Ltmp0:
0x30: {  	[sflag:s19] =	ssyncset.done $0x0;
	(pc) =	sbr.rel @p0 .LBB2_2-.Ltmp0, $4  }
0x31: {  	s23 =	sadd.s32 $0x5000, s24;
	[sflag:s19] =	ssyncadd.s32 $0xFFFFC000  }
0x32: {  	[spmem:s2] =	stream.indirect.scatter.add.f32 [tilespmem:s18], [sflag:$0x2], $0x80, s23, s17, $0xb8;
	[tilespmem:$0x1D400] =	vst v63  }
0x33: {  	_ =	swait.ge [sflag:s12], $0x4000  }
0x34: {  	s23 =	smov.u32 s25;
	[sflag:s12] =	ssyncset.done $0x0  }
0x35: {  	s22 =	sshra.s32 s22, $0x2;
	[sflag:s12] =	ssyncadd.s32 $0xFFFFC000  }
0x36: {  	[tilespmem:s18], [sflag:$0x1] =	stream.indirect.gather [hbm4b:s4+s17], $0x80, s22, s17, $0xb8;
	[tilespmem:$0x1D400] =	vst v63  }
0x37: {  	_ =	swait.ge [sflag:s19], $0x4000  }
0x38: {  	[sflag:s19] =	ssyncset.done $0x0  }
0x39: {  	s22 =	sadd.s32 $0x5000, s22;
	[sflag:s19] =	ssyncadd.s32 $0xFFFFC000  }
0x3a: {  	[spmem:s2] =	stream.indirect.scatter.add.f32 [tilespmem:s18], [sflag:$0x2], $0x80, s22, s17, $0xb8;
	[tilespmem:$0x1D400] =	vst v63  }
0x3b: {  	_ =	swait.ge [sflag:s12], $0x4000  }
0x3c: {  	[sflag:s12] =	ssyncset.done $0x0  }
0x3d: {  	[sflag:s12] =	ssyncadd.s32 $0xFFFFC000  }
0x3e: {  	[bflag:$0x0] =	sbarrier.arrive $0xFFFF  }
0x3f: {  	[hbm:s9], [sflag:s15] =	dma.local [spmem:s20], $0x1400  }
0x40: {  	_ =	swait.ge [sflag:s12], $0x1400  }
0x41: {  	[sflag:s12] =	ssyncset.done $0x0  }
0x42: {  	[sflag:s12] =	ssyncadd.s32 $0xFFFFEC00  }
0x43: {  	[bflag:$0x0] =	sbarrier.arrive $0xFFFF  }
0x44: {  	[spmem:s16], [sflag:s15] =	dma.local [hbm:s8], $0x1480  }
0x45: {  	_ =	swait.ge [sflag:s12], $0x1480  }
0x46: {  	[sflag:s12] =	ssyncset.done $0x0  }
0x47: {  	[sflag:s12] =	ssyncadd.s32 $0xFFFFEB80  }
0x48: {  	s30 =	simm.s32 $0x0;
	[bflag:$0x0] =	sbarrier.arrive $0xFFFF  }
0x49: {  	[tilespmem:s18], [sflag:$0x1] =	stream.indirect.gather [hbm4b:s4+s17], $0x80, s30, s17, $0xb8;
	[tilespmem:$0x1D400] =	vst v63  }
0x4a: {  	_ =	swait.ge [sflag:s19], $0x4000  }
0x4b: {  	[sflag:s19] =	ssyncset.done $0x0  }
0x4c: {  	s31 =	simm.s32 $0xA000;
	[sflag:s19] =	ssyncadd.s32 $0xFFFFC000  }
0x4d: {  	[spmem:s2] =	stream.indirect.scatter.add.f32 [tilespmem:s18], [sflag:$0x2], $0x80, s31, s17, $0xb8;
	[tilespmem:$0x1D400] =	vst v63  }
0x4e: {  	_ =	swait.ge [sflag:s12], $0x4000  }
0x4f: {  	s23 =	simm.s32 $0x400;
	s22 =	simm.s32 $0x200;
	[sflag:s12] =	ssyncset.done $0x0  }
.LBB2_4:
0x50: {  	s24 =	sshra.s32 s22, $0x2  }
0x51: {  	[sflag:s12] =	ssyncadd.s32 $0xFFFFC000;
	s22 =	smov.u32 s23;
	s25 =	sadd.s32 $0x200, s23  }
0x52: {  	[tilespmem:s18], [sflag:$0x1] =	stream.indirect.gather [hbm4b:s4+s17], $0x80, s24, s17, $0xb8;
	[tilespmem:$0x1D400] =	vst v63  }
0x53: {  	p0 =	sne.s32 s23, $0x13E00;
	_ =	swait.ge [sflag:s19], $0x4000  }
.Ltmp1:
0x54: {  	[sflag:s19] =	ssyncset.done $0x0;
	(pc) =	sbr.rel @p0 .LBB2_4-.Ltmp1, $4  }
0x55: {  	s23 =	sadd.s32 $0xA000, s24;
	[sflag:s19] =	ssyncadd.s32 $0xFFFFC000  }
0x56: {  	[spmem:s2] =	stream.indirect.scatter.add.f32 [tilespmem:s18], [sflag:$0x2], $0x80, s23, s17, $0xb8;
	[tilespmem:$0x1D400] =	vst v63  }
0x57: {  	_ =	swait.ge [sflag:s12], $0x4000  }
0x58: {  	s23 =	smov.u32 s25;
	[sflag:s12] =	ssyncset.done $0x0  }
0x59: {  	s22 =	sshra.s32 s22, $0x2;
	[sflag:s12] =	ssyncadd.s32 $0xFFFFC000  }
0x5a: {  	[tilespmem:s18], [sflag:$0x1] =	stream.indirect.gather [hbm4b:s4+s17], $0x80, s22, s17, $0xb8;
	[tilespmem:$0x1D400] =	vst v63  }
0x5b: {  	_ =	swait.ge [sflag:s19], $0x4000  }
0x5c: {  	[sflag:s19] =	ssyncset.done $0x0  }
0x5d: {  	s22 =	sadd.s32 $0xA000, s22;
	[sflag:s19] =	ssyncadd.s32 $0xFFFFC000  }
0x5e: {  	[spmem:s2] =	stream.indirect.scatter.add.f32 [tilespmem:s18], [sflag:$0x2], $0x80, s22, s17, $0xb8;
	[tilespmem:$0x1D400] =	vst v63  }
0x5f: {  	_ =	swait.ge [sflag:s12], $0x4000  }
0x60: {  	[sflag:s12] =	ssyncset.done $0x0  }
0x61: {  	s21 =	sadd.s32 $0x1, s21;
	[sflag:s12] =	ssyncadd.s32 $0xFFFFC000  }
0x62: {  	p0 =	sne.s32 s21, s11;
	[bflag:$0x0] =	sbarrier.arrive $0xFFFF  }
0x63: {  	[hbm:s10], [sflag:s15] =	dma.local [spmem:s20], $0x1400  }
.Ltmp2:
0x64: {  	_ =	swait.ge [sflag:s12], $0x1400;
	(pc) =	sbr.rel @p0 .LBB2_1-.Ltmp2, $3  }
0x65: {  	[sflag:s12] =	ssyncset.done $0x0  }
0x66: {  	[sflag:s12] =	ssyncadd.s32 $0xFFFFEC00  }
0x67: {  	[bflag:$0x0] =	sbarrier.arrive $0xFFFF;
	_ =	sdelay $0x1  }
0x68: {  	_ =	sfence.sel $0x180000  }
0x69: {  	[bflag:$0x0] =	sbarrier.arrive $0xFFFF  }
0x6a: {  	p0 =	sne.s32 s1, $0x0;
	_ =	strace $0x9000004A  }
0x6b: {  	s0 =	sadd.s32 @!p0 $0x100000, s0;
	[bflag:$0x2] =	sbarrier.arrive $0xFFFF  }
0x6c: {  	[sflag:s0] =	ssyncadd.tile.s32 @!p0 $0x1;
	_ =	shalt  }
.Lfunc_end2:
_tile_overlayer_lowered:
.L_overlay_start_2:
0x6d: {  	(tag) =	ssettag $0x2  }
0x6e: {  	s0 =	rddreg [dreg:$0x0];
	s2 =	stileid.u32  }
0x6f: {  	s1 =	rddreg [dreg:$0x1];
	p0 =	sne.s32 s2, $0x0  }
0x70: {  	s3 =	rddreg [dreg:$0x2];
	[bflag:$0x3] =	sbarrier.arrive $0xFFFF;
	s2 =	simm.s32 @!p0 $0x1C02  }
0x71: {  	[timem:s3], [sflag:s2] =	dma.local @!p0 [hbm:s0], s1  }
0x72: {  	s0 =	simm.s32 @!p0 $0x2  }
0x73: {  	_ =	swait.ge @!p0 [sflag:s0], s1  }
0x74: {  	s1 =	ssub.s32 @!p0 $0x0, s1;
	[sflag:s0] =	ssyncset.done @!p0 $0x0  }
0x75: {  	[sflag:s0] =	ssyncadd.s32 @!p0 s1  }
0x76: {  	[bflag:$0x3] =	sbarrier.arrive $0xFFFF  }
0x77: {  	_ =	shalt  }

</sc_bundles>
